<compile_context>
chip_gen: v7x
topology: tpu7x:2x2x1
jax: 0.10.2.dev20260603
libtpu: 0.0.44.dev20260713+nightly
codegen_flags: <defaults>
</compile_context>

<pallas_src>
import functools

import jax
import jax.numpy as jnp
from jax import lax
from jax.experimental import pallas as pl
from jax.experimental.pallas import tpu as pltpu
from jax.experimental.pallas import tpu_sc as plsc

H = 16
L = 2048
NLANE = 16
NCHUNK = L // NLANE
BLK = 4
NBUF = 4

_INFO = plsc.get_sparse_core_info()
NC = _INFO.num_cores
NS = _INFO.num_subcores
NW = NC * NS
ROWS = H * L
RPW = ROWS // NW
NBLK = RPW // BLK
NITER = NBLK // NBUF
assert NBLK % NBUF == 0

_MESH = plsc.VectorSubcoreMesh(core_axis_name="c", subcore_axis_name="s")


@functools.partial(
    pl.kernel,
    out_type=jax.ShapeDtypeStruct((ROWS, L), jnp.float32),
    mesh=_MESH,
    scratch_types=[
        pltpu.VMEM((2 * L,), jnp.float32),
        pltpu.VMEM((NBUF, BLK, L), jnp.float32),
        pltpu.VMEM((NBUF, BLK, L), jnp.float32),
    ] + [pltpu.SemaphoreType.DMA] * (2 * NBUF),
)
def _urpe_sc(ap_hbm, w_hbm, out_hbm, w2_v, in_v, out_v, *sems):
    wid = lax.axis_index("s") * NC + lax.axis_index("c")
    h = wid // (NW // H)
    base_row = wid * RPW
    j0 = base_row - h * L
    sem_ins = sems[:NBUF]
    sem_outs = sems[NBUF:]

    pltpu.sync_copy(w_hbm.at[h, pl.ds(L, L)], w2_v.at[pl.ds(0, L)])
    pltpu.sync_copy(w_hbm.at[h, pl.ds(L, L)], w2_v.at[pl.ds(L, L)])

    def in_copy(g, b):
        return pltpu.make_async_copy(
            ap_hbm.at[pl.ds(base_row + g * BLK, BLK), :], in_v.at[b],
            sem_ins[b])

    def out_copy(g, b):
        return pltpu.make_async_copy(
            out_v.at[b], out_hbm.at[pl.ds(base_row + g * BLK, BLK), :],
            sem_outs[b])

    for b in range(NBUF):
        in_copy(b, b).start()

    def step(i, carry):
        for b in range(NBUF):
            g = i * NBUF + b
            in_copy(g, b).wait()

            @pl.when(i > 0)
            def _():
                out_copy(g - NBUF, b).wait()

            obase0 = (L - (j0 + g * BLK))

            @plsc.parallel_loop(0, NCHUNK, unroll=4)
            def chunk(c):
                colbase = c * NLANE
                obase = obase0 + colbase
                for br in range(BLK):
                    bias = w2_v[pl.ds(obase - br, NLANE)]
                    a = in_v[b, br, pl.ds(colbase, NLANE)]
                    out_v[b, br, pl.ds(colbase, NLANE)] = a * bias

            out_copy(g, b).start()

            @pl.when(i < NITER - 1)
            def _():
                in_copy(g + NBUF, b).start()
        return carry

    lax.fori_loop(0, NITER, step, 0)
    for b in range(NBUF):
        out_copy((NITER - 1) * NBUF + b, b).wait()


def kernel(attention_probs, urpe_weight_):
    B, Hh, Lq, Lk = attention_probs.shape
    ap2 = attention_probs.reshape(Hh * Lq, Lk)
    out2 = _urpe_sc(ap2, urpe_weight_)
    return out2.reshape(B, Hh, Lq, Lk)

# --- scband reference (transcript-rebuilt; emitter-appended) ---
"""Pipeline reference for scband-urpe-36807869726820 (READ-ONLY COPY).

The authoritative reference and input builder live on the scoring server;
editing this copy changes nothing except your own understanding.
"""

import jax, jax.numpy as jnp
import numpy as np

NUM_HEADS = 16
MAX_LENGTH = 2048
BATCH = 1


def setup_inputs(seed: int = 0) -> dict:
    key = jax.random.key(seed)
    k0, = jax.random.split(key, 1)
    attention_probs = jax.random.uniform(k0, (BATCH, NUM_HEADS, MAX_LENGTH, MAX_LENGTH), dtype=jnp.float32)
    # learned parameter: initialized to ones, exactly as in the torch module
    urpe_weight_ = jnp.ones((NUM_HEADS, 2 * MAX_LENGTH), dtype=jnp.float32)
    return {"attention_probs": attention_probs, "urpe_weight_": urpe_weight_}


def _toeplitz(c, r):
    # c, r: (H, L). Faithful translation of the torch helper:
    #   vals = cat((r, c[1:].flip(0)))  -> (2H-1, L)
    #   urpe[h, j, k] = vals[h, k - j]  (negative index wraps, i.e. (k-j) mod L)
    H, L = r.shape
    vals = jnp.concatenate([r, jnp.flip(c[1:], axis=0)], axis=0)
    j = jnp.arange(L)[:, None]
    k = jnp.arange(L)[None, :]
    idx = (k - j) % L  # matches torch negative indexing since (k-j) in (-L, L)
    i = jnp.arange(H)[:, None, None]
    return vals[i, idx[None, :, :]]  # (H, L, L) gather


def reference(attention_probs, urpe_weight_):
    H, twoL = urpe_weight_.shape
    L = twoL // 2
    c = urpe_weight_[:, :L]
    r = urpe_weight_[:, L:]
    urpe_weight = _toeplitz(c, r)  # (H, L, L)
    return attention_probs * urpe_weight

if __name__ == "__main__":
    import jax
    _d = setup_inputs()
    print(jax.jit(kernel)(*tuple(_d.values())))

</pallas_src>

<mosaic_0001>
#map = affine_map<(d0, d1) -> (0, 0)>
module attributes {stable_mosaic.version = 14 : i64} {
  func.func @_urpe_sc(%arg0: i32, %arg1: i32, %arg2: memref<32768x2048xf32, #tpu.memory_space<hbm>>, %arg3: memref<16x4096xf32, #tpu.memory_space<hbm>>, %arg4: memref<32768x2048xf32, #tpu.memory_space<hbm>>, %arg5: memref<4096xf32, #tpu.memory_space<vmem>>, %arg6: memref<4x4x2048xf32, #tpu.memory_space<vmem>>, %arg7: memref<4x4x2048xf32, #tpu.memory_space<vmem>>, %arg8: memref<!tpu.dma_semaphore, #tpu.memory_space<semaphore_mem>>, %arg9: memref<!tpu.dma_semaphore, #tpu.memory_space<semaphore_mem>>, %arg10: memref<!tpu.dma_semaphore, #tpu.memory_space<semaphore_mem>>, %arg11: memref<!tpu.dma_semaphore, #tpu.memory_space<semaphore_mem>>, %arg12: memref<!tpu.dma_semaphore, #tpu.memory_space<semaphore_mem>>, %arg13: memref<!tpu.dma_semaphore, #tpu.memory_space<semaphore_mem>>, %arg14: memref<!tpu.dma_semaphore, #tpu.memory_space<semaphore_mem>>, %arg15: memref<!tpu.dma_semaphore, #tpu.memory_space<semaphore_mem>>) attributes {dimension_semantics = [#tpu.dimension_semantics<core_parallel>, #tpu.dimension_semantics<subcore_parallel>], iteration_bounds = array<i64: 2, 16>, scalar_prefetch = 0 : i64, scratch_operands = 11 : i64, tpu.core_type = #tpu.core_type<sc_vector_subcore>, window_params = [{transform_indices = #map}, {transform_indices = #map}, {transform_indices = #map}]} {
    %mul3A = arith.constant 2 : i32
    %mul3A_0 = arith.muli %arg1, %mul3A : i32
    %add3A = arith.addi %mul3A_0, %arg0 : i32
    %jit3A = arith.constant 2 : i32
    %div3A = arith.divsi %add3A, %jit3A : i32
    %sign3A = arith.constant 0 : i32
    %sign3A_1 = arith.cmpi sgt, %add3A, %sign3A : i32
    %sign3A_2 = arith.extui %sign3A_1 : i1 to i32
    %sign3A_3 = arith.constant 0 : i32
    %sign3A_4 = arith.cmpi slt, %add3A, %sign3A_3 : i32
    %sign3A_5 = arith.extui %sign3A_4 : i1 to i32
    %sign3A_6 = arith.subi %sign3A_2, %sign3A_5 : i32
    %sign3A_7 = arith.constant 0 : i32
    %sign3A_8 = arith.cmpi sgt, %jit3A, %sign3A_7 : i32
    %sign3A_9 = arith.extui %sign3A_8 : i1 to i32
    %sign3A_10 = arith.constant 0 : i32
    %sign3A_11 = arith.cmpi slt, %jit3A, %sign3A_10 : i32
    %sign3A_12 = arith.extui %sign3A_11 : i1 to i32
    %sign3A_13 = arith.subi %sign3A_9, %sign3A_12 : i32
    %ne3A = arith.cmpi ne, %sign3A_6, %sign3A_13 : i32
    %rem3A = arith.remsi %add3A, %jit3A : i32
    %ne3A_14 = arith.constant 0 : i32
    %ne3A_15 = arith.cmpi ne, %rem3A, %ne3A_14 : i32
    %and3A = arith.andi %ne3A, %ne3A_15 : i1
    %sub3A = arith.constant 1 : i32
    %sub3A_16 = arith.subi %div3A, %sub3A : i32
    %select_n3A = arith.select %and3A, %sub3A_16, %div3A : i32
    %mul3A_17 = arith.constant 1024 : i32
    %mul3A_18 = arith.muli %add3A, %mul3A_17 : i32
    %mul3A_19 = arith.constant 2048 : i32
    %mul3A_20 = arith.muli %select_n3A, %mul3A_19 : i32
    %sub3A_21 = arith.subi %mul3A_18, %mul3A_20 : i32
    "tpu.region"() ({
      %run_scoped3A = tpu.sem_alloc : memref<!tpu.dma_semaphore, #tpu.memory_space<semaphore_mem>>
      %dma_start3A_145 = arith.constant 0 : i32
      %dma_start3A_146 = tpu.memref_slice %arg5[%dma_start3A_145] : memref<4096xf32, #tpu.memory_space<vmem>> -> memref<2048xf32, #tpu.memory_space<vmem>>
      %dma_start3A_147 = arith.constant 2048 : i32
      %dma_start3A_148 = tpu.memref_slice %arg3[%select_n3A, %dma_start3A_147] : memref<16x4096xf32, #tpu.memory_space<hbm>> -> memref<1x2048xf32, #tpu.memory_space<hbm>>
      %dma_start3A_149 = tpu.memref_squeeze %dma_start3A_148 : memref<1x2048xf32, #tpu.memory_space<hbm>> -> memref<2048xf32, #tpu.memory_space<hbm>>
      %dma_start3A_150 = arith.constant 0 : i32
      %dma_start3A_151 = tpu.memref_slice %arg5[%dma_start3A_150] : memref<4096xf32, #tpu.memory_space<vmem>> -> memref<2048xf32, #tpu.memory_space<vmem>>
      %dma_start3A_152 = arith.constant 2048 : i32
      %dma_start3A_153 = tpu.memref_slice %arg3[%select_n3A, %dma_start3A_152] : memref<16x4096xf32, #tpu.memory_space<hbm>> -> memref<1x2048xf32, #tpu.memory_space<hbm>>
      %dma_start3A_154 = tpu.memref_squeeze %dma_start3A_153 : memref<1x2048xf32, #tpu.memory_space<hbm>> -> memref<2048xf32, #tpu.memory_space<hbm>>
      tpu.enqueue_dma source(%dma_start3A_154 : memref<2048xf32, #tpu.memory_space<hbm>>) target(%dma_start3A_151 : memref<2048xf32, #tpu.memory_space<vmem>>) target_semaphore(%run_scoped3A : memref<!tpu.dma_semaphore, #tpu.memory_space<semaphore_mem>>)
      %dma_wait3A_155 = arith.constant 0 : i32
      %dma_wait3A_156 = tpu.memref_slice %arg5[%dma_wait3A_155] : memref<4096xf32, #tpu.memory_space<vmem>> -> memref<2048xf32, #tpu.memory_space<vmem>>
      %dma_wait3A_157 = arith.constant 2048 : i32
      %dma_wait3A_158 = tpu.memref_slice %arg3[%select_n3A, %dma_wait3A_157] : memref<16x4096xf32, #tpu.memory_space<hbm>> -> memref<1x2048xf32, #tpu.memory_space<hbm>>
      %dma_wait3A_159 = tpu.memref_squeeze %dma_wait3A_158 : memref<1x2048xf32, #tpu.memory_space<hbm>> -> memref<2048xf32, #tpu.memory_space<hbm>>
      %dma_wait3A_160 = arith.constant 0 : i32
      %dma_wait3A_161 = tpu.memref_slice %arg5[%dma_wait3A_160] : memref<4096xf32, #tpu.memory_space<vmem>> -> memref<2048xf32, #tpu.memory_space<vmem>>
      %dma_wait3A_162 = arith.constant 2048 : i32
      %dma_wait3A_163 = tpu.memref_slice %arg3[%select_n3A, %dma_wait3A_162] : memref<16x4096xf32, #tpu.memory_space<hbm>> -> memref<1x2048xf32, #tpu.memory_space<hbm>>
      %dma_wait3A_164 = tpu.memref_squeeze %dma_wait3A_163 : memref<1x2048xf32, #tpu.memory_space<hbm>> -> memref<2048xf32, #tpu.memory_space<hbm>>
      tpu.wait_dma2 semaphore(%run_scoped3A : memref<!tpu.dma_semaphore, #tpu.memory_space<semaphore_mem>>) src(%dma_wait3A_164 : memref<2048xf32, #tpu.memory_space<hbm>>) dst(%dma_wait3A_161 : memref<2048xf32, #tpu.memory_space<vmem>>)
      tpu.yield
    }) : () -> ()
    "tpu.region"() ({
      %run_scoped3A = tpu.sem_alloc : memref<!tpu.dma_semaphore, #tpu.memory_space<semaphore_mem>>
      %dma_start3A_145 = arith.constant 2048 : i32
      %dma_start3A_146 = tpu.memref_slice %arg5[%dma_start3A_145] : memref<4096xf32, #tpu.memory_space<vmem>> -> memref<2048xf32, #tpu.memory_space<vmem>>
      %dma_start3A_147 = arith.constant 2048 : i32
      %dma_start3A_148 = tpu.memref_slice %arg3[%select_n3A, %dma_start3A_147] : memref<16x4096xf32, #tpu.memory_space<hbm>> -> memref<1x2048xf32, #tpu.memory_space<hbm>>
      %dma_start3A_149 = tpu.memref_squeeze %dma_start3A_148 : memref<1x2048xf32, #tpu.memory_space<hbm>> -> memref<2048xf32, #tpu.memory_space<hbm>>
      %dma_start3A_150 = arith.constant 2048 : i32
      %dma_start3A_151 = tpu.memref_slice %arg5[%dma_start3A_150] : memref<4096xf32, #tpu.memory_space<vmem>> -> memref<2048xf32, #tpu.memory_space<vmem>>
      %dma_start3A_152 = arith.constant 2048 : i32
      %dma_start3A_153 = tpu.memref_slice %arg3[%select_n3A, %dma_start3A_152] : memref<16x4096xf32, #tpu.memory_space<hbm>> -> memref<1x2048xf32, #tpu.memory_space<hbm>>
      %dma_start3A_154 = tpu.memref_squeeze %dma_start3A_153 : memref<1x2048xf32, #tpu.memory_space<hbm>> -> memref<2048xf32, #tpu.memory_space<hbm>>
      tpu.enqueue_dma source(%dma_start3A_154 : memref<2048xf32, #tpu.memory_space<hbm>>) target(%dma_start3A_151 : memref<2048xf32, #tpu.memory_space<vmem>>) target_semaphore(%run_scoped3A : memref<!tpu.dma_semaphore, #tpu.memory_space<semaphore_mem>>)
      %dma_wait3A_155 = arith.constant 2048 : i32
      %dma_wait3A_156 = tpu.memref_slice %arg5[%dma_wait3A_155] : memref<4096xf32, #tpu.memory_space<vmem>> -> memref<2048xf32, #tpu.memory_space<vmem>>
      %dma_wait3A_157 = arith.constant 2048 : i32
      %dma_wait3A_158 = tpu.memref_slice %arg3[%select_n3A, %dma_wait3A_157] : memref<16x4096xf32, #tpu.memory_space<hbm>> -> memref<1x2048xf32, #tpu.memory_space<hbm>>
      %dma_wait3A_159 = tpu.memref_squeeze %dma_wait3A_158 : memref<1x2048xf32, #tpu.memory_space<hbm>> -> memref<2048xf32, #tpu.memory_space<hbm>>
      %dma_wait3A_160 = arith.constant 2048 : i32
      %dma_wait3A_161 = tpu.memref_slice %arg5[%dma_wait3A_160] : memref<4096xf32, #tpu.memory_space<vmem>> -> memref<2048xf32, #tpu.memory_space<vmem>>
      %dma_wait3A_162 = arith.constant 2048 : i32
      %dma_wait3A_163 = tpu.memref_slice %arg3[%select_n3A, %dma_wait3A_162] : memref<16x4096xf32, #tpu.memory_space<hbm>> -> memref<1x2048xf32, #tpu.memory_space<hbm>>
      %dma_wait3A_164 = tpu.memref_squeeze %dma_wait3A_163 : memref<1x2048xf32, #tpu.memory_space<hbm>> -> memref<2048xf32, #tpu.memory_space<hbm>>
      tpu.wait_dma2 semaphore(%run_scoped3A : memref<!tpu.dma_semaphore, #tpu.memory_space<semaphore_mem>>) src(%dma_wait3A_164 : memref<2048xf32, #tpu.memory_space<hbm>>) dst(%dma_wait3A_161 : memref<2048xf32, #tpu.memory_space<vmem>>)
      tpu.yield
    }) : () -> ()
    %add3A_22 = arith.constant 0 : i32
    %add3A_23 = arith.addi %mul3A_18, %add3A_22 : i32
    %dma_start3A = arith.constant 0 : i32
    %dma_start3A_24 = arith.constant 0 : i32
    %dma_start3A_25 = arith.constant 0 : i32
    %dma_start3A_26 = tpu.memref_slice %arg6[%dma_start3A, %dma_start3A_24, %dma_start3A_25] : memref<4x4x2048xf32, #tpu.memory_space<vmem>> -> memref<1x4x2048xf32, #tpu.memory_space<vmem>>
    %dma_start3A_27 = tpu.memref_squeeze %dma_start3A_26 : memref<1x4x2048xf32, #tpu.memory_space<vmem>> -> memref<4x2048xf32, #tpu.memory_space<vmem>>
    %dma_start3A_28 = arith.constant 0 : i32
    %dma_start3A_29 = tpu.memref_slice %arg2[%add3A_23, %dma_start3A_28] : memref<32768x2048xf32, #tpu.memory_space<hbm>> -> memref<4x2048xf32, #tpu.memory_space<hbm>>
    %dma_start3A_30 = arith.constant 0 : i32
    %dma_start3A_31 = arith.constant 0 : i32
    %dma_start3A_32 = tpu.memref_slice %arg6[%dma_start3A, %dma_start3A_30, %dma_start3A_31] : memref<4x4x2048xf32, #tpu.memory_space<vmem>> -> memref<1x4x2048xf32, #tpu.memory_space<vmem>>
    %dma_start3A_33 = tpu.memref_squeeze %dma_start3A_32 : memref<1x4x2048xf32, #tpu.memory_space<vmem>> -> memref<4x2048xf32, #tpu.memory_space<vmem>>
    %dma_start3A_34 = arith.constant 0 : i32
    %dma_start3A_35 = tpu.memref_slice %arg2[%add3A_23, %dma_start3A_34] : memref<32768x2048xf32, #tpu.memory_space<hbm>> -> memref<4x2048xf32, #tpu.memory_space<hbm>>
    tpu.enqueue_dma source(%dma_start3A_35 : memref<4x2048xf32, #tpu.memory_space<hbm>>) target(%dma_start3A_33 : memref<4x2048xf32, #tpu.memory_space<vmem>>) target_semaphore(%arg8 : memref<!tpu.dma_semaphore, #tpu.memory_space<semaphore_mem>>)
    %add3A_36 = arith.constant 4 : i32
    %add3A_37 = arith.addi %mul3A_18, %add3A_36 : i32
    %dma_start3A_38 = arith.constant 1 : i32
    %dma_start3A_39 = arith.constant 0 : i32
    %dma_start3A_40 = arith.constant 0 : i32
    %dma_start3A_41 = tpu.memref_slice %arg6[%dma_start3A_38, %dma_start3A_39, %dma_start3A_40] : memref<4x4x2048xf32, #tpu.memory_space<vmem>> -> memref<1x4x2048xf32, #tpu.memory_space<vmem>>
    %dma_start3A_42 = tpu.memref_squeeze %dma_start3A_41 : memref<1x4x2048xf32, #tpu.memory_space<vmem>> -> memref<4x2048xf32, #tpu.memory_space<vmem>>
    %dma_start3A_43 = arith.constant 0 : i32
    %dma_start3A_44 = tpu.memref_slice %arg2[%add3A_37, %dma_start3A_43] : memref<32768x2048xf32, #tpu.memory_space<hbm>> -> memref<4x2048xf32, #tpu.memory_space<hbm>>
    %dma_start3A_45 = arith.constant 0 : i32
    %dma_start3A_46 = arith.constant 0 : i32
    %dma_start3A_47 = tpu.memref_slice %arg6[%dma_start3A_38, %dma_start3A_45, %dma_start3A_46] : memref<4x4x2048xf32, #tpu.memory_space<vmem>> -> memref<1x4x2048xf32, #tpu.memory_space<vmem>>
    %dma_start3A_48 = tpu.memref_squeeze %dma_start3A_47 : memref<1x4x2048xf32, #tpu.memory_space<vmem>> -> memref<4x2048xf32, #tpu.memory_space<vmem>>
    %dma_start3A_49 = arith.constant 0 : i32
    %dma_start3A_50 = tpu.memref_slice %arg2[%add3A_37, %dma_start3A_49] : memref<32768x2048xf32, #tpu.memory_space<hbm>> -> memref<4x2048xf32, #tpu.memory_space<hbm>>
    tpu.enqueue_dma source(%dma_start3A_50 : memref<4x2048xf32, #tpu.memory_space<hbm>>) target(%dma_start3A_48 : memref<4x2048xf32, #tpu.memory_space<vmem>>) target_semaphore(%arg9 : memref<!tpu.dma_semaphore, #tpu.memory_space<semaphore_mem>>)
    %add3A_51 = arith.constant 8 : i32
    %add3A_52 = arith.addi %mul3A_18, %add3A_51 : i32
    %dma_start3A_53 = arith.constant 2 : i32
    %dma_start3A_54 = arith.constant 0 : i32
    %dma_start3A_55 = arith.constant 0 : i32
    %dma_start3A_56 = tpu.memref_slice %arg6[%dma_start3A_53, %dma_start3A_54, %dma_start3A_55] : memref<4x4x2048xf32, #tpu.memory_space<vmem>> -> memref<1x4x2048xf32, #tpu.memory_space<vmem>>
    %dma_start3A_57 = tpu.memref_squeeze %dma_start3A_56 : memref<1x4x2048xf32, #tpu.memory_space<vmem>> -> memref<4x2048xf32, #tpu.memory_space<vmem>>
    %dma_start3A_58 = arith.constant 0 : i32
    %dma_start3A_59 = tpu.memref_slice %arg2[%add3A_52, %dma_start3A_58] : memref<32768x2048xf32, #tpu.memory_space<hbm>> -> memref<4x2048xf32, #tpu.memory_space<hbm>>
    %dma_start3A_60 = arith.constant 0 : i32
    %dma_start3A_61 = arith.constant 0 : i32
    %dma_start3A_62 = tpu.memref_slice %arg6[%dma_start3A_53, %dma_start3A_60, %dma_start3A_61] : memref<4x4x2048xf32, #tpu.memory_space<vmem>> -> memref<1x4x2048xf32, #tpu.memory_space<vmem>>
    %dma_start3A_63 = tpu.memref_squeeze %dma_start3A_62 : memref<1x4x2048xf32, #tpu.memory_space<vmem>> -> memref<4x2048xf32, #tpu.memory_space<vmem>>
    %dma_start3A_64 = arith.constant 0 : i32
    %dma_start3A_65 = tpu.memref_slice %arg2[%add3A_52, %dma_start3A_64] : memref<32768x2048xf32, #tpu.memory_space<hbm>> -> memref<4x2048xf32, #tpu.memory_space<hbm>>
    tpu.enqueue_dma source(%dma_start3A_65 : memref<4x2048xf32, #tpu.memory_space<hbm>>) target(%dma_start3A_63 : memref<4x2048xf32, #tpu.memory_space<vmem>>) target_semaphore(%arg10 : memref<!tpu.dma_semaphore, #tpu.memory_space<semaphore_mem>>)
    %add3A_66 = arith.constant 12 : i32
    %add3A_67 = arith.addi %mul3A_18, %add3A_66 : i32
    %dma_start3A_68 = arith.constant 3 : i32
    %dma_start3A_69 = arith.constant 0 : i32
    %dma_start3A_70 = arith.constant 0 : i32
    %dma_start3A_71 = tpu.memref_slice %arg6[%dma_start3A_68, %dma_start3A_69, %dma_start3A_70] : memref<4x4x2048xf32, #tpu.memory_space<vmem>> -> memref<1x4x2048xf32, #tpu.memory_space<vmem>>
    %dma_start3A_72 = tpu.memref_squeeze %dma_start3A_71 : memref<1x4x2048xf32, #tpu.memory_space<vmem>> -> memref<4x2048xf32, #tpu.memory_space<vmem>>
    %dma_start3A_73 = arith.constant 0 : i32
    %dma_start3A_74 = tpu.memref_slice %arg2[%add3A_67, %dma_start3A_73] : memref<32768x2048xf32, #tpu.memory_space<hbm>> -> memref<4x2048xf32, #tpu.memory_space<hbm>>
    %dma_start3A_75 = arith.constant 0 : i32
    %dma_start3A_76 = arith.constant 0 : i32
    %dma_start3A_77 = tpu.memref_slice %arg6[%dma_start3A_68, %dma_start3A_75, %dma_start3A_76] : memref<4x4x2048xf32, #tpu.memory_space<vmem>> -> memref<1x4x2048xf32, #tpu.memory_space<vmem>>
    %dma_start3A_78 = tpu.memref_squeeze %dma_start3A_77 : memref<1x4x2048xf32, #tpu.memory_space<vmem>> -> memref<4x2048xf32, #tpu.memory_space<vmem>>
    %dma_start3A_79 = arith.constant 0 : i32
    %dma_start3A_80 = tpu.memref_slice %arg2[%add3A_67, %dma_start3A_79] : memref<32768x2048xf32, #tpu.memory_space<hbm>> -> memref<4x2048xf32, #tpu.memory_space<hbm>>
    tpu.enqueue_dma source(%dma_start3A_80 : memref<4x2048xf32, #tpu.memory_space<hbm>>) target(%dma_start3A_78 : memref<4x2048xf32, #tpu.memory_space<vmem>>) target_semaphore(%arg11 : memref<!tpu.dma_semaphore, #tpu.memory_space<semaphore_mem>>)
    %scan3A = arith.constant 0 : i32
    %scan3A_81 = arith.constant 0 : i32
    %scan3A_82 = arith.constant 64 : i32
    %scan3A_83 = arith.addi %scan3A_81, %scan3A_82 : i32
    %scan3A_84 = arith.constant 1 : i32
    scf.for %scan3A_145 = %scan3A_81 to %scan3A_83 step %scan3A_84  : i32 {
      %mul3A_146 = arith.constant 4 : i32
      %mul3A_147 = arith.muli %scan3A_145, %mul3A_146 : i32
      %add3A_148 = arith.constant 0 : i32
      %add3A_149 = arith.addi %mul3A_147, %add3A_148 : i32
      %mul3A_150 = arith.constant 4 : i32
      %mul3A_151 = arith.muli %add3A_149, %mul3A_150 : i32
      %add3A_152 = arith.addi %mul3A_18, %mul3A_151 : i32
      %dma_wait3A_153 = arith.constant 0 : i32
      %dma_wait3A_154 = arith.constant 0 : i32
      %dma_wait3A_155 = arith.constant 0 : i32
      %dma_wait3A_156 = tpu.memref_slice %arg6[%dma_wait3A_153, %dma_wait3A_154, %dma_wait3A_155] : memref<4x4x2048xf32, #tpu.memory_space<vmem>> -> memref<1x4x2048xf32, #tpu.memory_space<vmem>>
      %dma_wait3A_157 = tpu.memref_squeeze %dma_wait3A_156 : memref<1x4x2048xf32, #tpu.memory_space<vmem>> -> memref<4x2048xf32, #tpu.memory_space<vmem>>
      %dma_wait3A_158 = arith.constant 0 : i32
      %dma_wait3A_159 = tpu.memref_slice %arg2[%add3A_152, %dma_wait3A_158] : memref<32768x2048xf32, #tpu.memory_space<hbm>> -> memref<4x2048xf32, #tpu.memory_space<hbm>>
      %dma_wait3A_160 = arith.constant 0 : i32
      %dma_wait3A_161 = arith.constant 0 : i32
      %dma_wait3A_162 = tpu.memref_slice %arg6[%dma_wait3A_153, %dma_wait3A_160, %dma_wait3A_161] : memref<4x4x2048xf32, #tpu.memory_space<vmem>> -> memref<1x4x2048xf32, #tpu.memory_space<vmem>>
      %dma_wait3A_163 = tpu.memref_squeeze %dma_wait3A_162 : memref<1x4x2048xf32, #tpu.memory_space<vmem>> -> memref<4x2048xf32, #tpu.memory_space<vmem>>
      %dma_wait3A_164 = arith.constant 0 : i32
      %dma_wait3A_165 = tpu.memref_slice %arg2[%add3A_152, %dma_wait3A_164] : memref<32768x2048xf32, #tpu.memory_space<hbm>> -> memref<4x2048xf32, #tpu.memory_space<hbm>>
      tpu.wait_dma2 semaphore(%arg8 : memref<!tpu.dma_semaphore, #tpu.memory_space<semaphore_mem>>) src(%dma_wait3A_165 : memref<4x2048xf32, #tpu.memory_space<hbm>>) dst(%dma_wait3A_163 : memref<4x2048xf32, #tpu.memory_space<vmem>>)
      %gt3A = arith.constant 0 : i32
      %gt3A_166 = arith.cmpi sgt, %scan3A_145, %gt3A : i32
      %convert_element_type3A = arith.extui %gt3A_166 : i1 to i32
      %cond3A = arith.constant 0 : i32
      %cond3A_167 = arith.cmpi ne, %convert_element_type3A, %cond3A : i32
      scf.if %cond3A_167 {
        %sub3A_357 = arith.constant 4 : i32
        %sub3A_358 = arith.subi %add3A_149, %sub3A_357 : i32
        %mul3A_359 = arith.constant 4 : i32
        %mul3A_360 = arith.muli %sub3A_358, %mul3A_359 : i32
        %add3A_361 = arith.addi %mul3A_18, %mul3A_360 : i32
        %dma_wait3A_362 = arith.constant 0 : i32
        %dma_wait3A_363 = arith.constant 0 : i32
        %dma_wait3A_364 = arith.constant 0 : i32
        %dma_wait3A_365 = tpu.memref_slice %arg7[%dma_wait3A_362, %dma_wait3A_363, %dma_wait3A_364] : memref<4x4x2048xf32, #tpu.memory_space<vmem>> -> memref<1x4x2048xf32, #tpu.memory_space<vmem>>
        %dma_wait3A_366 = tpu.memref_squeeze %dma_wait3A_365 : memref<1x4x2048xf32, #tpu.memory_space<vmem>> -> memref<4x2048xf32, #tpu.memory_space<vmem>>
        %dma_wait3A_367 = arith.constant 0 : i32
        %dma_wait3A_368 = tpu.memref_slice %arg4[%add3A_361, %dma_wait3A_367] : memref<32768x2048xf32, #tpu.memory_space<hbm>> -> memref<4x2048xf32, #tpu.memory_space<hbm>>
        %dma_wait3A_369 = arith.constant 0 : i32
        %dma_wait3A_370 = tpu.memref_slice %arg4[%add3A_361, %dma_wait3A_369] : memref<32768x2048xf32, #tpu.memory_space<hbm>> -> memref<4x2048xf32, #tpu.memory_space<hbm>>
        %dma_wait3A_371 = arith.constant 0 : i32
        %dma_wait3A_372 = arith.constant 0 : i32
        %dma_wait3A_373 = tpu.memref_slice %arg7[%dma_wait3A_362, %dma_wait3A_371, %dma_wait3A_372] : memref<4x4x2048xf32, #tpu.memory_space<vmem>> -> memref<1x4x2048xf32, #tpu.memory_space<vmem>>
        %dma_wait3A_374 = tpu.memref_squeeze %dma_wait3A_373 : memref<1x4x2048xf32, #tpu.memory_space<vmem>> -> memref<4x2048xf32, #tpu.memory_space<vmem>>
        tpu.wait_dma2 semaphore(%arg12 : memref<!tpu.dma_semaphore, #tpu.memory_space<semaphore_mem>>) src(%dma_wait3A_374 : memref<4x2048xf32, #tpu.memory_space<vmem>>) dst(%dma_wait3A_370 : memref<4x2048xf32, #tpu.memory_space<hbm>>)
      } else {
      }
      %mul3A_168 = arith.constant 4 : i32
      %mul3A_169 = arith.muli %add3A_149, %mul3A_168 : i32
      %add3A_170 = arith.addi %sub3A_21, %mul3A_169 : i32
      %sub3A_171 = arith.constant 2048 : i32
      %sub3A_172 = arith.subi %sub3A_171, %add3A_170 : i32
      %parallel_loop3A = arith.constant 0 : i32
      %parallel_loop3A_173 = arith.constant 128 : i32
      %parallel_loop3A_174 = arith.constant 1 : i32
      scf.for %parallel_loop3A_357 = %parallel_loop3A to %parallel_loop3A_173 step %parallel_loop3A_174  : i32 {
        %parallel_loop3A_358 = arith.constant 16 : i32
        %parallel_loop3A_359 = arith.muli %parallel_loop3A_357, %parallel_loop3A_358 : i32
        %parallel_loop3A_360 = arith.addi %sub3A_172, %parallel_loop3A_359 : i32
        %parallel_loop3A_361 = arith.constant 0 : i32
        %parallel_loop3A_362 = arith.subi %parallel_loop3A_360, %parallel_loop3A_361 : i32
        %parallel_loop3A_363 = arith.index_cast %parallel_loop3A_362 : i32 to index
        %parallel_loop3A_364 = tpu.vector_load %arg5[%parallel_loop3A_363] {strides = array<i32>} : memref<4096xf32, #tpu.memory_space<vmem>>, vector<16xf32>,
        %parallel_loop3A_365 = vector.shape_cast %parallel_loop3A_364 : vector<16xf32> to vector<16xf32>
        %parallel_loop3A_366 = arith.constant 0 : i32
        %parallel_loop3A_367 = arith.constant 0 : i32
        %parallel_loop3A_368 = arith.index_cast %parallel_loop3A_366 : i32 to index
        %parallel_loop3A_369 = arith.index_cast %parallel_loop3A_367 : i32 to index
        %parallel_loop3A_370 = arith.index_cast %parallel_loop3A_359 : i32 to index
        %parallel_loop3A_371 = tpu.vector_load %arg6[%parallel_loop3A_368, %parallel_loop3A_369, %parallel_loop3A_370] {strides = array<i32>} : memref<4x4x2048xf32, #tpu.memory_space<vmem>>, vector<1x1x16xf32>,
        %parallel_loop3A_372 = vector.shape_cast %parallel_loop3A_371 : vector<1x1x16xf32> to vector<16xf32>
        %parallel_loop3A_373 = arith.mulf %parallel_loop3A_372, %parallel_loop3A_365 : vector<16xf32>
        %parallel_loop3A_374 = arith.constant 0 : i32
        %parallel_loop3A_375 = arith.constant 0 : i32
        %parallel_loop3A_376 = arith.index_cast %parallel_loop3A_374 : i32 to index
        %parallel_loop3A_377 = arith.index_cast %parallel_loop3A_375 : i32 to index
        %parallel_loop3A_378 = arith.index_cast %parallel_loop3A_359 : i32 to index
        %parallel_loop3A_379 = tpu.vector_load %arg7[%parallel_loop3A_376, %parallel_loop3A_377, %parallel_loop3A_378] {strides = array<i32>} : memref<4x4x2048xf32, #tpu.memory_space<vmem>>, vector<1x1x16xf32>,
        %parallel_loop3A_380 = vector.shape_cast %parallel_loop3A_379 : vector<1x1x16xf32> to vector<16xf32>
        %parallel_loop3A_381 = vector.shape_cast %parallel_loop3A_373 : vector<16xf32> to vector<1x1x16xf32>
        tpu.vector_store %arg7[%parallel_loop3A_376, %parallel_loop3A_377, %parallel_loop3A_378], %parallel_loop3A_381 {strides = array<i32>} : memref<4x4x2048xf32, #tpu.memory_space<vmem>>, vector<1x1x16xf32>,
        %parallel_loop3A_382 = arith.constant 1 : i32
        %parallel_loop3A_383 = arith.subi %parallel_loop3A_360, %parallel_loop3A_382 : i32
        %parallel_loop3A_384 = arith.index_cast %parallel_loop3A_383 : i32 to index
        %parallel_loop3A_385 = tpu.vector_load %arg5[%parallel_loop3A_384] {strides = array<i32>} : memref<4096xf32, #tpu.memory_space<vmem>>, vector<16xf32>,
        %parallel_loop3A_386 = vector.shape_cast %parallel_loop3A_385 : vector<16xf32> to vector<16xf32>
        %parallel_loop3A_387 = arith.constant 0 : i32
        %parallel_loop3A_388 = arith.constant 1 : i32
        %parallel_loop3A_389 = arith.index_cast %parallel_loop3A_387 : i32 to index
        %parallel_loop3A_390 = arith.index_cast %parallel_loop3A_388 : i32 to index
        %parallel_loop3A_391 = arith.index_cast %parallel_loop3A_359 : i32 to index
        %parallel_loop3A_392 = tpu.vector_load %arg6[%parallel_loop3A_389, %parallel_loop3A_390, %parallel_loop3A_391] {strides = array<i32>} : memref<4x4x2048xf32, #tpu.memory_space<vmem>>, vector<1x1x16xf32>,
        %parallel_loop3A_393 = vector.shape_cast %parallel_loop3A_392 : vector<1x1x16xf32> to vector<16xf32>
        %parallel_loop3A_394 = arith.mulf %parallel_loop3A_393, %parallel_loop3A_386 : vector<16xf32>
        %parallel_loop3A_395 = arith.constant 0 : i32
        %parallel_loop3A_396 = arith.constant 1 : i32
        %parallel_loop3A_397 = arith.index_cast %parallel_loop3A_395 : i32 to index
        %parallel_loop3A_398 = arith.index_cast %parallel_loop3A_396 : i32 to index
        %parallel_loop3A_399 = arith.index_cast %parallel_loop3A_359 : i32 to index
        %parallel_loop3A_400 = tpu.vector_load %arg7[%parallel_loop3A_397, %parallel_loop3A_398, %parallel_loop3A_399] {strides = array<i32>} : memref<4x4x2048xf32, #tpu.memory_space<vmem>>, vector<1x1x16xf32>,
        %parallel_loop3A_401 = vector.shape_cast %parallel_loop3A_400 : vector<1x1x16xf32> to vector<16xf32>
        %parallel_loop3A_402 = vector.shape_cast %parallel_loop3A_394 : vector<16xf32> to vector<1x1x16xf32>
        tpu.vector_store %arg7[%parallel_loop3A_397, %parallel_loop3A_398, %parallel_loop3A_399], %parallel_loop3A_402 {strides = array<i32>} : memref<4x4x2048xf32, #tpu.memory_space<vmem>>, vector<1x1x16xf32>,
        %parallel_loop3A_403 = arith.constant 2 : i32
        %parallel_loop3A_404 = arith.subi %parallel_loop3A_360, %parallel_loop3A_403 : i32
        %parallel_loop3A_405 = arith.index_cast %parallel_loop3A_404 : i32 to index
        %parallel_loop3A_406 = tpu.vector_load %arg5[%parallel_loop3A_405] {strides = array<i32>} : memref<4096xf32, #tpu.memory_space<vmem>>, vector<16xf32>,
        %parallel_loop3A_407 = vector.shape_cast %parallel_loop3A_406 : vector<16xf32> to vector<16xf32>
        %parallel_loop3A_408 = arith.constant 0 : i32
        %parallel_loop3A_409 = arith.constant 2 : i32
        %parallel_loop3A_410 = arith.index_cast %parallel_loop3A_408 : i32 to index
        %parallel_loop3A_411 = arith.index_cast %parallel_loop3A_409 : i32 to index
        %parallel_loop3A_412 = arith.index_cast %parallel_loop3A_359 : i32 to index
        %parallel_loop3A_413 = tpu.vector_load %arg6[%parallel_loop3A_410, %parallel_loop3A_411, %parallel_loop3A_412] {strides = array<i32>} : memref<4x4x2048xf32, #tpu.memory_space<vmem>>, vector<1x1x16xf32>,
        %parallel_loop3A_414 = vector.shape_cast %parallel_loop3A_413 : vector<1x1x16xf32> to vector<16xf32>
        %parallel_loop3A_415 = arith.mulf %parallel_loop3A_414, %parallel_loop3A_407 : vector<16xf32>
        %parallel_loop3A_416 = arith.constant 0 : i32
        %parallel_loop3A_417 = arith.constant 2 : i32
        %parallel_loop3A_418 = arith.index_cast %parallel_loop3A_416 : i32 to index
        %parallel_loop3A_419 = arith.index_cast %parallel_loop3A_417 : i32 to index
        %parallel_loop3A_420 = arith.index_cast %parallel_loop3A_359 : i32 to index
        %parallel_loop3A_421 = tpu.vector_load %arg7[%parallel_loop3A_418, %parallel_loop3A_419, %parallel_loop3A_420] {strides = array<i32>} : memref<4x4x2048xf32, #tpu.memory_space<vmem>>, vector<1x1x16xf32>,
        %parallel_loop3A_422 = vector.shape_cast %parallel_loop3A_421 : vector<1x1x16xf32> to vector<16xf32>
        %parallel_loop3A_423 = vector.shape_cast %parallel_loop3A_415 : vector<16xf32> to vector<1x1x16xf32>
        tpu.vector_store %arg7[%parallel_loop3A_418, %parallel_loop3A_419, %parallel_loop3A_420], %parallel_loop3A_423 {strides = array<i32>} : memref<4x4x2048xf32, #tpu.memory_space<vmem>>, vector<1x1x16xf32>,
        %parallel_loop3A_424 = arith.constant 3 : i32
        %parallel_loop3A_425 = arith.subi %parallel_loop3A_360, %parallel_loop3A_424 : i32
        %parallel_loop3A_426 = arith.index_cast %parallel_loop3A_425 : i32 to index
        %parallel_loop3A_427 = tpu.vector_load %arg5[%parallel_loop3A_426] {strides = array<i32>} : memref<4096xf32, #tpu.memory_space<vmem>>, vector<16xf32>,
        %parallel_loop3A_428 = vector.shape_cast %parallel_loop3A_427 : vector<16xf32> to vector<16xf32>
        %parallel_loop3A_429 = arith.constant 0 : i32
        %parallel_loop3A_430 = arith.constant 3 : i32
        %parallel_loop3A_431 = arith.index_cast %parallel_loop3A_429 : i32 to index
        %parallel_loop3A_432 = arith.index_cast %parallel_loop3A_430 : i32 to index
        %parallel_loop3A_433 = arith.index_cast %parallel_loop3A_359 : i32 to index
        %parallel_loop3A_434 = tpu.vector_load %arg6[%parallel_loop3A_431, %parallel_loop3A_432, %parallel_loop3A_433] {strides = array<i32>} : memref<4x4x2048xf32, #tpu.memory_space<vmem>>, vector<1x1x16xf32>,
        %parallel_loop3A_435 = vector.shape_cast %parallel_loop3A_434 : vector<1x1x16xf32> to vector<16xf32>
        %parallel_loop3A_436 = arith.mulf %parallel_loop3A_435, %parallel_loop3A_428 : vector<16xf32>
        %parallel_loop3A_437 = arith.constant 0 : i32
        %parallel_loop3A_438 = arith.constant 3 : i32
        %parallel_loop3A_439 = arith.index_cast %parallel_loop3A_437 : i32 to index
        %parallel_loop3A_440 = arith.index_cast %parallel_loop3A_438 : i32 to index
        %parallel_loop3A_441 = arith.index_cast %parallel_loop3A_359 : i32 to index
        %parallel_loop3A_442 = tpu.vector_load %arg7[%parallel_loop3A_439, %parallel_loop3A_440, %parallel_loop3A_441] {strides = array<i32>} : memref<4x4x2048xf32, #tpu.memory_space<vmem>>, vector<1x1x16xf32>,
        %parallel_loop3A_443 = vector.shape_cast %parallel_loop3A_442 : vector<1x1x16xf32> to vector<16xf32>
        %parallel_loop3A_444 = vector.shape_cast %parallel_loop3A_436 : vector<16xf32> to vector<1x1x16xf32>
        tpu.vector_store %arg7[%parallel_loop3A_439, %parallel_loop3A_440, %parallel_loop3A_441], %parallel_loop3A_444 {strides = array<i32>} : memref<4x4x2048xf32, #tpu.memory_space<vmem>>, vector<1x1x16xf32>,
      } {sc.loop_unroll_factor = 4 : i64, sc.parallel_access}
      %mul3A_175 = arith.constant 4 : i32
      %mul3A_176 = arith.muli %add3A_149, %mul3A_175 : i32
      %add3A_177 = arith.addi %mul3A_18, %mul3A_176 : i32
      %dma_start3A_178 = arith.constant 0 : i32
      %dma_start3A_179 = arith.constant 0 : i32
      %dma_start3A_180 = arith.constant 0 : i32
      %dma_start3A_181 = tpu.memref_slice %arg7[%dma_start3A_178, %dma_start3A_179, %dma_start3A_180] : memref<4x4x2048xf32, #tpu.memory_space<vmem>> -> memref<1x4x2048xf32, #tpu.memory_space<vmem>>
      %dma_start3A_182 = tpu.memref_squeeze %dma_start3A_181 : memref<1x4x2048xf32, #tpu.memory_space<vmem>> -> memref<4x2048xf32, #tpu.memory_space<vmem>>
      %dma_start3A_183 = arith.constant 0 : i32
      %dma_start3A_184 = tpu.memref_slice %arg4[%add3A_177, %dma_start3A_183] : memref<32768x2048xf32, #tpu.memory_space<hbm>> -> memref<4x2048xf32, #tpu.memory_space<hbm>>
      %dma_start3A_185 = arith.constant 0 : i32
      %dma_start3A_186 = tpu.memref_slice %arg4[%add3A_177, %dma_start3A_185] : memref<32768x2048xf32, #tpu.memory_space<hbm>> -> memref<4x2048xf32, #tpu.memory_space<hbm>>
      %dma_start3A_187 = arith.constant 0 : i32
      %dma_start3A_188 = arith.constant 0 : i32
      %dma_start3A_189 = tpu.memref_slice %arg7[%dma_start3A_178, %dma_start3A_187, %dma_start3A_188] : memref<4x4x2048xf32, #tpu.memory_space<vmem>> -> memref<1x4x2048xf32, #tpu.memory_space<vmem>>
      %dma_start3A_190 = tpu.memref_squeeze %dma_start3A_189 : memref<1x4x2048xf32, #tpu.memory_space<vmem>> -> memref<4x2048xf32, #tpu.memory_space<vmem>>
      tpu.enqueue_dma source(%dma_start3A_190 : memref<4x2048xf32, #tpu.memory_space<vmem>>) target(%dma_start3A_186 : memref<4x2048xf32, #tpu.memory_space<hbm>>) target_semaphore(%arg12 : memref<!tpu.dma_semaphore, #tpu.memory_space<semaphore_mem>>)
      %lt3A = arith.constant 63 : i32
      %lt3A_191 = arith.cmpi slt, %scan3A_145, %lt3A : i32
      %convert_element_type3A_192 = arith.extui %lt3A_191 : i1 to i32
      %cond3A_193 = arith.constant 0 : i32
      %cond3A_194 = arith.cmpi ne, %convert_element_type3A_192, %cond3A_193 : i32
      scf.if %cond3A_194 {
        %add3A_357 = arith.constant 4 : i32
        %add3A_358 = arith.addi %add3A_149, %add3A_357 : i32
        %mul3A_359 = arith.constant 4 : i32
        %mul3A_360 = arith.muli %add3A_358, %mul3A_359 : i32
        %add3A_361 = arith.addi %mul3A_18, %mul3A_360 : i32
        %dma_start3A_362 = arith.constant 0 : i32
        %dma_start3A_363 = arith.constant 0 : i32
        %dma_start3A_364 = arith.constant 0 : i32
        %dma_start3A_365 = tpu.memref_slice %arg6[%dma_start3A_362, %dma_start3A_363, %dma_start3A_364] : memref<4x4x2048xf32, #tpu.memory_space<vmem>> -> memref<1x4x2048xf32, #tpu.memory_space<vmem>>
        %dma_start3A_366 = tpu.memref_squeeze %dma_start3A_365 : memref<1x4x2048xf32, #tpu.memory_space<vmem>> -> memref<4x2048xf32, #tpu.memory_space<vmem>>
        %dma_start3A_367 = arith.constant 0 : i32
        %dma_start3A_368 = tpu.memref_slice %arg2[%add3A_361, %dma_start3A_367] : memref<32768x2048xf32, #tpu.memory_space<hbm>> -> memref<4x2048xf32, #tpu.memory_space<hbm>>
        %dma_start3A_369 = arith.constant 0 : i32
        %dma_start3A_370 = arith.constant 0 : i32
        %dma_start3A_371 = tpu.memref_slice %arg6[%dma_start3A_362, %dma_start3A_369, %dma_start3A_370] : memref<4x4x2048xf32, #tpu.memory_space<vmem>> -> memref<1x4x2048xf32, #tpu.memory_space<vmem>>
        %dma_start3A_372 = tpu.memref_squeeze %dma_start3A_371 : memref<1x4x2048xf32, #tpu.memory_space<vmem>> -> memref<4x2048xf32, #tpu.memory_space<vmem>>
        %dma_start3A_373 = arith.constant 0 : i32
        %dma_start3A_374 = tpu.memref_slice %arg2[%add3A_361, %dma_start3A_373] : memref<32768x2048xf32, #tpu.memory_space<hbm>> -> memref<4x2048xf32, #tpu.memory_space<hbm>>
        tpu.enqueue_dma source(%dma_start3A_374 : memref<4x2048xf32, #tpu.memory_space<hbm>>) target(%dma_start3A_372 : memref<4x2048xf32, #tpu.memory_space<vmem>>) target_semaphore(%arg8 : memref<!tpu.dma_semaphore, #tpu.memory_space<semaphore_mem>>)
      } else {
      }
      %mul3A_195 = arith.constant 4 : i32
      %mul3A_196 = arith.muli %scan3A_145, %mul3A_195 : i32
      %add3A_197 = arith.constant 1 : i32
      %add3A_198 = arith.addi %mul3A_196, %add3A_197 : i32
      %mul3A_199 = arith.constant 4 : i32
      %mul3A_200 = arith.muli %add3A_198, %mul3A_199 : i32
      %add3A_201 = arith.addi %mul3A_18, %mul3A_200 : i32
      %dma_wait3A_202 = arith.constant 1 : i32
      %dma_wait3A_203 = arith.constant 0 : i32
      %dma_wait3A_204 = arith.constant 0 : i32
      %dma_wait3A_205 = tpu.memref_slice %arg6[%dma_wait3A_202, %dma_wait3A_203, %dma_wait3A_204] : memref<4x4x2048xf32, #tpu.memory_space<vmem>> -> memref<1x4x2048xf32, #tpu.memory_space<vmem>>
      %dma_wait3A_206 = tpu.memref_squeeze %dma_wait3A_205 : memref<1x4x2048xf32, #tpu.memory_space<vmem>> -> memref<4x2048xf32, #tpu.memory_space<vmem>>
      %dma_wait3A_207 = arith.constant 0 : i32
      %dma_wait3A_208 = tpu.memref_slice %arg2[%add3A_201, %dma_wait3A_207] : memref<32768x2048xf32, #tpu.memory_space<hbm>> -> memref<4x2048xf32, #tpu.memory_space<hbm>>
      %dma_wait3A_209 = arith.constant 0 : i32
      %dma_wait3A_210 = arith.constant 0 : i32
      %dma_wait3A_211 = tpu.memref_slice %arg6[%dma_wait3A_202, %dma_wait3A_209, %dma_wait3A_210] : memref<4x4x2048xf32, #tpu.memory_space<vmem>> -> memref<1x4x2048xf32, #tpu.memory_space<vmem>>
      %dma_wait3A_212 = tpu.memref_squeeze %dma_wait3A_211 : memref<1x4x2048xf32, #tpu.memory_space<vmem>> -> memref<4x2048xf32, #tpu.memory_space<vmem>>
      %dma_wait3A_213 = arith.constant 0 : i32
      %dma_wait3A_214 = tpu.memref_slice %arg2[%add3A_201, %dma_wait3A_213] : memref<32768x2048xf32, #tpu.memory_space<hbm>> -> memref<4x2048xf32, #tpu.memory_space<hbm>>
      tpu.wait_dma2 semaphore(%arg9 : memref<!tpu.dma_semaphore, #tpu.memory_space<semaphore_mem>>) src(%dma_wait3A_214 : memref<4x2048xf32, #tpu.memory_space<hbm>>) dst(%dma_wait3A_212 : memref<4x2048xf32, #tpu.memory_space<vmem>>)
      %gt3A_215 = arith.constant 0 : i32
      %gt3A_216 = arith.cmpi sgt, %scan3A_145, %gt3A_215 : i32
      %convert_element_type3A_217 = arith.extui %gt3A_216 : i1 to i32
      %cond3A_218 = arith.constant 0 : i32
      %cond3A_219 = arith.cmpi ne, %convert_element_type3A_217, %cond3A_218 : i32
      scf.if %cond3A_219 {
        %sub3A_357 = arith.constant 4 : i32
        %sub3A_358 = arith.subi %add3A_198, %sub3A_357 : i32
        %mul3A_359 = arith.constant 4 : i32
        %mul3A_360 = arith.muli %sub3A_358, %mul3A_359 : i32
        %add3A_361 = arith.addi %mul3A_18, %mul3A_360 : i32
        %dma_wait3A_362 = arith.constant 1 : i32
        %dma_wait3A_363 = arith.constant 0 : i32
        %dma_wait3A_364 = arith.constant 0 : i32
        %dma_wait3A_365 = tpu.memref_slice %arg7[%dma_wait3A_362, %dma_wait3A_363, %dma_wait3A_364] : memref<4x4x2048xf32, #tpu.memory_space<vmem>> -> memref<1x4x2048xf32, #tpu.memory_space<vmem>>
        %dma_wait3A_366 = tpu.memref_squeeze %dma_wait3A_365 : memref<1x4x2048xf32, #tpu.memory_space<vmem>> -> memref<4x2048xf32, #tpu.memory_space<vmem>>
        %dma_wait3A_367 = arith.constant 0 : i32
        %dma_wait3A_368 = tpu.memref_slice %arg4[%add3A_361, %dma_wait3A_367] : memref<32768x2048xf32, #tpu.memory_space<hbm>> -> memref<4x2048xf32, #tpu.memory_space<hbm>>
        %dma_wait3A_369 = arith.constant 0 : i32
        %dma_wait3A_370 = tpu.memref_slice %arg4[%add3A_361, %dma_wait3A_369] : memref<32768x2048xf32, #tpu.memory_space<hbm>> -> memref<4x2048xf32, #tpu.memory_space<hbm>>
        %dma_wait3A_371 = arith.constant 0 : i32
        %dma_wait3A_372 = arith.constant 0 : i32
        %dma_wait3A_373 = tpu.memref_slice %arg7[%dma_wait3A_362, %dma_wait3A_371, %dma_wait3A_372] : memref<4x4x2048xf32, #tpu.memory_space<vmem>> -> memref<1x4x2048xf32, #tpu.memory_space<vmem>>
        %dma_wait3A_374 = tpu.memref_squeeze %dma_wait3A_373 : memref<1x4x2048xf32, #tpu.memory_space<vmem>> -> memref<4x2048xf32, #tpu.memory_space<vmem>>
        tpu.wait_dma2 semaphore(%arg13 : memref<!tpu.dma_semaphore, #tpu.memory_space<semaphore_mem>>) src(%dma_wait3A_374 : memref<4x2048xf32, #tpu.memory_space<vmem>>) dst(%dma_wait3A_370 : memref<4x2048xf32, #tpu.memory_space<hbm>>)
      } else {
      }
      %mul3A_220 = arith.constant 4 : i32
      %mul3A_221 = arith.muli %add3A_198, %mul3A_220 : i32
      %add3A_222 = arith.addi %sub3A_21, %mul3A_221 : i32
      %sub3A_223 = arith.constant 2048 : i32
      %sub3A_224 = arith.subi %sub3A_223, %add3A_222 : i32
      %parallel_loop3A_225 = arith.constant 0 : i32
      %parallel_loop3A_226 = arith.constant 128 : i32
      %parallel_loop3A_227 = arith.constant 1 : i32
      scf.for %parallel_loop3A_357 = %parallel_loop3A_225 to %parallel_loop3A_226 step %parallel_loop3A_227  : i32 {
        %parallel_loop3A_358 = arith.constant 16 : i32
        %parallel_loop3A_359 = arith.muli %parallel_loop3A_357, %parallel_loop3A_358 : i32
        %parallel_loop3A_360 = arith.addi %sub3A_224, %parallel_loop3A_359 : i32
        %parallel_loop3A_361 = arith.constant 0 : i32
        %parallel_loop3A_362 = arith.subi %parallel_loop3A_360, %parallel_loop3A_361 : i32
        %parallel_loop3A_363 = arith.index_cast %parallel_loop3A_362 : i32 to index
        %parallel_loop3A_364 = tpu.vector_load %arg5[%parallel_loop3A_363] {strides = array<i32>} : memref<4096xf32, #tpu.memory_space<vmem>>, vector<16xf32>,
        %parallel_loop3A_365 = vector.shape_cast %parallel_loop3A_364 : vector<16xf32> to vector<16xf32>
        %parallel_loop3A_366 = arith.constant 1 : i32
        %parallel_loop3A_367 = arith.constant 0 : i32
        %parallel_loop3A_368 = arith.index_cast %parallel_loop3A_366 : i32 to index
        %parallel_loop3A_369 = arith.index_cast %parallel_loop3A_367 : i32 to index
        %parallel_loop3A_370 = arith.index_cast %parallel_loop3A_359 : i32 to index
        %parallel_loop3A_371 = tpu.vector_load %arg6[%parallel_loop3A_368, %parallel_loop3A_369, %parallel_loop3A_370] {strides = array<i32>} : memref<4x4x2048xf32, #tpu.memory_space<vmem>>, vector<1x1x16xf32>,
        %parallel_loop3A_372 = vector.shape_cast %parallel_loop3A_371 : vector<1x1x16xf32> to vector<16xf32>
        %parallel_loop3A_373 = arith.mulf %parallel_loop3A_372, %parallel_loop3A_365 : vector<16xf32>
        %parallel_loop3A_374 = arith.constant 1 : i32
        %parallel_loop3A_375 = arith.constant 0 : i32
        %parallel_loop3A_376 = arith.index_cast %parallel_loop3A_374 : i32 to index
        %parallel_loop3A_377 = arith.index_cast %parallel_loop3A_375 : i32 to index
        %parallel_loop3A_378 = arith.index_cast %parallel_loop3A_359 : i32 to index
        %parallel_loop3A_379 = tpu.vector_load %arg7[%parallel_loop3A_376, %parallel_loop3A_377, %parallel_loop3A_378] {strides = array<i32>} : memref<4x4x2048xf32, #tpu.memory_space<vmem>>, vector<1x1x16xf32>,
        %parallel_loop3A_380 = vector.shape_cast %parallel_loop3A_379 : vector<1x1x16xf32> to vector<16xf32>
        %parallel_loop3A_381 = vector.shape_cast %parallel_loop3A_373 : vector<16xf32> to vector<1x1x16xf32>
        tpu.vector_store %arg7[%parallel_loop3A_376, %parallel_loop3A_377, %parallel_loop3A_378], %parallel_loop3A_381 {strides = array<i32>} : memref<4x4x2048xf32, #tpu.memory_space<vmem>>, vector<1x1x16xf32>,
        %parallel_loop3A_382 = arith.constant 1 : i32
        %parallel_loop3A_383 = arith.subi %parallel_loop3A_360, %parallel_loop3A_382 : i32
        %parallel_loop3A_384 = arith.index_cast %parallel_loop3A_383 : i32 to index
        %parallel_loop3A_385 = tpu.vector_load %arg5[%parallel_loop3A_384] {strides = array<i32>} : memref<4096xf32, #tpu.memory_space<vmem>>, vector<16xf32>,
        %parallel_loop3A_386 = vector.shape_cast %parallel_loop3A_385 : vector<16xf32> to vector<16xf32>
        %parallel_loop3A_387 = arith.constant 1 : i32
        %parallel_loop3A_388 = arith.constant 1 : i32
        %parallel_loop3A_389 = arith.index_cast %parallel_loop3A_387 : i32 to index
        %parallel_loop3A_390 = arith.index_cast %parallel_loop3A_388 : i32 to index
        %parallel_loop3A_391 = arith.index_cast %parallel_loop3A_359 : i32 to index
        %parallel_loop3A_392 = tpu.vector_load %arg6[%parallel_loop3A_389, %parallel_loop3A_390, %parallel_loop3A_391] {strides = array<i32>} : memref<4x4x2048xf32, #tpu.memory_space<vmem>>, vector<1x1x16xf32>,
        %parallel_loop3A_393 = vector.shape_cast %parallel_loop3A_392 : vector<1x1x16xf32> to vector<16xf32>
        %parallel_loop3A_394 = arith.mulf %parallel_loop3A_393, %parallel_loop3A_386 : vector<16xf32>
        %parallel_loop3A_395 = arith.constant 1 : i32
        %parallel_loop3A_396 = arith.constant 1 : i32
        %parallel_loop3A_397 = arith.index_cast %parallel_loop3A_395 : i32 to index
        %parallel_loop3A_398 = arith.index_cast %parallel_loop3A_396 : i32 to index
        %parallel_loop3A_399 = arith.index_cast %parallel_loop3A_359 : i32 to index
        %parallel_loop3A_400 = tpu.vector_load %arg7[%parallel_loop3A_397, %parallel_loop3A_398, %parallel_loop3A_399] {strides = array<i32>} : memref<4x4x2048xf32, #tpu.memory_space<vmem>>, vector<1x1x16xf32>,
        %parallel_loop3A_401 = vector.shape_cast %parallel_loop3A_400 : vector<1x1x16xf32> to vector<16xf32>
        %parallel_loop3A_402 = vector.shape_cast %parallel_loop3A_394 : vector<16xf32> to vector<1x1x16xf32>
        tpu.vector_store %arg7[%parallel_loop3A_397, %parallel_loop3A_398, %parallel_loop3A_399], %parallel_loop3A_402 {strides = array<i32>} : memref<4x4x2048xf32, #tpu.memory_space<vmem>>, vector<1x1x16xf32>,
        %parallel_loop3A_403 = arith.constant 2 : i32
        %parallel_loop3A_404 = arith.subi %parallel_loop3A_360, %parallel_loop3A_403 : i32
        %parallel_loop3A_405 = arith.index_cast %parallel_loop3A_404 : i32 to index
        %parallel_loop3A_406 = tpu.vector_load %arg5[%parallel_loop3A_405] {strides = array<i32>} : memref<4096xf32, #tpu.memory_space<vmem>>, vector<16xf32>,
        %parallel_loop3A_407 = vector.shape_cast %parallel_loop3A_406 : vector<16xf32> to vector<16xf32>
        %parallel_loop3A_408 = arith.constant 1 : i32
        %parallel_loop3A_409 = arith.constant 2 : i32
        %parallel_loop3A_410 = arith.index_cast %parallel_loop3A_408 : i32 to index
        %parallel_loop3A_411 = arith.index_cast %parallel_loop3A_409 : i32 to index
        %parallel_loop3A_412 = arith.index_cast %parallel_loop3A_359 : i32 to index
        %parallel_loop3A_413 = tpu.vector_load %arg6[%parallel_loop3A_410, %parallel_loop3A_411, %parallel_loop3A_412] {strides = array<i32>} : memref<4x4x2048xf32, #tpu.memory_space<vmem>>, vector<1x1x16xf32>,
        %parallel_loop3A_414 = vector.shape_cast %parallel_loop3A_413 : vector<1x1x16xf32> to vector<16xf32>
        %parallel_loop3A_415 = arith.mulf %parallel_loop3A_414, %parallel_loop3A_407 : vector<16xf32>
        %parallel_loop3A_416 = arith.constant 1 : i32
        %parallel_loop3A_417 = arith.constant 2 : i32
        %parallel_loop3A_418 = arith.index_cast %parallel_loop3A_416 : i32 to index
        %parallel_loop3A_419 = arith.index_cast %parallel_loop3A_417 : i32 to index
        %parallel_loop3A_420 = arith.index_cast %parallel_loop3A_359 : i32 to index
        %parallel_loop3A_421 = tpu.vector_load %arg7[%parallel_loop3A_418, %parallel_loop3A_419, %parallel_loop3A_420] {strides = array<i32>} : memref<4x4x2048xf32, #tpu.memory_space<vmem>>, vector<1x1x16xf32>,
        %parallel_loop3A_422 = vector.shape_cast %parallel_loop3A_421 : vector<1x1x16xf32> to vector<16xf32>
        %parallel_loop3A_423 = vector.shape_cast %parallel_loop3A_415 : vector<16xf32> to vector<1x1x16xf32>
        tpu.vector_store %arg7[%parallel_loop3A_418, %parallel_loop3A_419, %parallel_loop3A_420], %parallel_loop3A_423 {strides = array<i32>} : memref<4x4x2048xf32, #tpu.memory_space<vmem>>, vector<1x1x16xf32>,
        %parallel_loop3A_424 = arith.constant 3 : i32
        %parallel_loop3A_425 = arith.subi %parallel_loop3A_360, %parallel_loop3A_424 : i32
        %parallel_loop3A_426 = arith.index_cast %parallel_loop3A_425 : i32 to index
        %parallel_loop3A_427 = tpu.vector_load %arg5[%parallel_loop3A_426] {strides = array<i32>} : memref<4096xf32, #tpu.memory_space<vmem>>, vector<16xf32>,
        %parallel_loop3A_428 = vector.shape_cast %parallel_loop3A_427 : vector<16xf32> to vector<16xf32>
        %parallel_loop3A_429 = arith.constant 1 : i32
        %parallel_loop3A_430 = arith.constant 3 : i32
        %parallel_loop3A_431 = arith.index_cast %parallel_loop3A_429 : i32 to index
        %parallel_loop3A_432 = arith.index_cast %parallel_loop3A_430 : i32 to index
        %parallel_loop3A_433 = arith.index_cast %parallel_loop3A_359 : i32 to index
        %parallel_loop3A_434 = tpu.vector_load %arg6[%parallel_loop3A_431, %parallel_loop3A_432, %parallel_loop3A_433] {strides = array<i32>} : memref<4x4x2048xf32, #tpu.memory_space<vmem>>, vector<1x1x16xf32>,
        %parallel_loop3A_435 = vector.shape_cast %parallel_loop3A_434 : vector<1x1x16xf32> to vector<16xf32>
        %parallel_loop3A_436 = arith.mulf %parallel_loop3A_435, %parallel_loop3A_428 : vector<16xf32>
        %parallel_loop3A_437 = arith.constant 1 : i32
        %parallel_loop3A_438 = arith.constant 3 : i32
        %parallel_loop3A_439 = arith.index_cast %parallel_loop3A_437 : i32 to index
        %parallel_loop3A_440 = arith.index_cast %parallel_loop3A_438 : i32 to index
        %parallel_loop3A_441 = arith.index_cast %parallel_loop3A_359 : i32 to index
        %parallel_loop3A_442 = tpu.vector_load %arg7[%parallel_loop3A_439, %parallel_loop3A_440, %parallel_loop3A_441] {strides = array<i32>} : memref<4x4x2048xf32, #tpu.memory_space<vmem>>, vector<1x1x16xf32>,
        %parallel_loop3A_443 = vector.shape_cast %parallel_loop3A_442 : vector<1x1x16xf32> to vector<16xf32>
        %parallel_loop3A_444 = vector.shape_cast %parallel_loop3A_436 : vector<16xf32> to vector<1x1x16xf32>
        tpu.vector_store %arg7[%parallel_loop3A_439, %parallel_loop3A_440, %parallel_loop3A_441], %parallel_loop3A_444 {strides = array<i32>} : memref<4x4x2048xf32, #tpu.memory_space<vmem>>, vector<1x1x16xf32>,
      } {sc.loop_unroll_factor = 4 : i64, sc.parallel_access}
      %mul3A_228 = arith.constant 4 : i32
      %mul3A_229 = arith.muli %add3A_198, %mul3A_228 : i32
      %add3A_230 = arith.addi %mul3A_18, %mul3A_229 : i32
      %dma_start3A_231 = arith.constant 1 : i32
      %dma_start3A_232 = arith.constant 0 : i32
      %dma_start3A_233 = arith.constant 0 : i32
      %dma_start3A_234 = tpu.memref_slice %arg7[%dma_start3A_231, %dma_start3A_232, %dma_start3A_233] : memref<4x4x2048xf32, #tpu.memory_space<vmem>> -> memref<1x4x2048xf32, #tpu.memory_space<vmem>>
      %dma_start3A_235 = tpu.memref_squeeze %dma_start3A_234 : memref<1x4x2048xf32, #tpu.memory_space<vmem>> -> memref<4x2048xf32, #tpu.memory_space<vmem>>
      %dma_start3A_236 = arith.constant 0 : i32
      %dma_start3A_237 = tpu.memref_slice %arg4[%add3A_230, %dma_start3A_236] : memref<32768x2048xf32, #tpu.memory_space<hbm>> -> memref<4x2048xf32, #tpu.memory_space<hbm>>
      %dma_start3A_238 = arith.constant 0 : i32
      %dma_start3A_239 = tpu.memref_slice %arg4[%add3A_230, %dma_start3A_238] : memref<32768x2048xf32, #tpu.memory_space<hbm>> -> memref<4x2048xf32, #tpu.memory_space<hbm>>
      %dma_start3A_240 = arith.constant 0 : i32
      %dma_start3A_241 = arith.constant 0 : i32
      %dma_start3A_242 = tpu.memref_slice %arg7[%dma_start3A_231, %dma_start3A_240, %dma_start3A_241] : memref<4x4x2048xf32, #tpu.memory_space<vmem>> -> memref<1x4x2048xf32, #tpu.memory_space<vmem>>
      %dma_start3A_243 = tpu.memref_squeeze %dma_start3A_242 : memref<1x4x2048xf32, #tpu.memory_space<vmem>> -> memref<4x2048xf32, #tpu.memory_space<vmem>>
      tpu.enqueue_dma source(%dma_start3A_243 : memref<4x2048xf32, #tpu.memory_space<vmem>>) target(%dma_start3A_239 : memref<4x2048xf32, #tpu.memory_space<hbm>>) target_semaphore(%arg13 : memref<!tpu.dma_semaphore, #tpu.memory_space<semaphore_mem>>)
      %lt3A_244 = arith.constant 63 : i32
      %lt3A_245 = arith.cmpi slt, %scan3A_145, %lt3A_244 : i32
      %convert_element_type3A_246 = arith.extui %lt3A_245 : i1 to i32
      %cond3A_247 = arith.constant 0 : i32
      %cond3A_248 = arith.cmpi ne, %convert_element_type3A_246, %cond3A_247 : i32
      scf.if %cond3A_248 {
        %add3A_357 = arith.constant 4 : i32
        %add3A_358 = arith.addi %add3A_198, %add3A_357 : i32
        %mul3A_359 = arith.constant 4 : i32
        %mul3A_360 = arith.muli %add3A_358, %mul3A_359 : i32
        %add3A_361 = arith.addi %mul3A_18, %mul3A_360 : i32
        %dma_start3A_362 = arith.constant 1 : i32
        %dma_start3A_363 = arith.constant 0 : i32
        %dma_start3A_364 = arith.constant 0 : i32
        %dma_start3A_365 = tpu.memref_slice %arg6[%dma_start3A_362, %dma_start3A_363, %dma_start3A_364] : memref<4x4x2048xf32, #tpu.memory_space<vmem>> -> memref<1x4x2048xf32, #tpu.memory_space<vmem>>
        %dma_start3A_366 = tpu.memref_squeeze %dma_start3A_365 : memref<1x4x2048xf32, #tpu.memory_space<vmem>> -> memref<4x2048xf32, #tpu.memory_space<vmem>>
        %dma_start3A_367 = arith.constant 0 : i32
        %dma_start3A_368 = tpu.memref_slice %arg2[%add3A_361, %dma_start3A_367] : memref<32768x2048xf32, #tpu.memory_space<hbm>> -> memref<4x2048xf32, #tpu.memory_space<hbm>>
        %dma_start3A_369 = arith.constant 0 : i32
        %dma_start3A_370 = arith.constant 0 : i32
        %dma_start3A_371 = tpu.memref_slice %arg6[%dma_start3A_362, %dma_start3A_369, %dma_start3A_370] : memref<4x4x2048xf32, #tpu.memory_space<vmem>> -> memref<1x4x2048xf32, #tpu.memory_space<vmem>>
        %dma_start3A_372 = tpu.memref_squeeze %dma_start3A_371 : memref<1x4x2048xf32, #tpu.memory_space<vmem>> -> memref<4x2048xf32, #tpu.memory_space<vmem>>
        %dma_start3A_373 = arith.constant 0 : i32
        %dma_start3A_374 = tpu.memref_slice %arg2[%add3A_361, %dma_start3A_373] : memref<32768x2048xf32, #tpu.memory_space<hbm>> -> memref<4x2048xf32, #tpu.memory_space<hbm>>
        tpu.enqueue_dma source(%dma_start3A_374 : memref<4x2048xf32, #tpu.memory_space<hbm>>) target(%dma_start3A_372 : memref<4x2048xf32, #tpu.memory_space<vmem>>) target_semaphore(%arg9 : memref<!tpu.dma_semaphore, #tpu.memory_space<semaphore_mem>>)
      } else {
      }
      %mul3A_249 = arith.constant 4 : i32
      %mul3A_250 = arith.muli %scan3A_145, %mul3A_249 : i32
      %add3A_251 = arith.constant 2 : i32
      %add3A_252 = arith.addi %mul3A_250, %add3A_251 : i32
      %mul3A_253 = arith.constant 4 : i32
      %mul3A_254 = arith.muli %add3A_252, %mul3A_253 : i32
      %add3A_255 = arith.addi %mul3A_18, %mul3A_254 : i32
      %dma_wait3A_256 = arith.constant 2 : i32
      %dma_wait3A_257 = arith.constant 0 : i32
      %dma_wait3A_258 = arith.constant 0 : i32
      %dma_wait3A_259 = tpu.memref_slice %arg6[%dma_wait3A_256, %dma_wait3A_257, %dma_wait3A_258] : memref<4x4x2048xf32, #tpu.memory_space<vmem>> -> memref<1x4x2048xf32, #tpu.memory_space<vmem>>
      %dma_wait3A_260 = tpu.memref_squeeze %dma_wait3A_259 : memref<1x4x2048xf32, #tpu.memory_space<vmem>> -> memref<4x2048xf32, #tpu.memory_space<vmem>>
      %dma_wait3A_261 = arith.constant 0 : i32
      %dma_wait3A_262 = tpu.memref_slice %arg2[%add3A_255, %dma_wait3A_261] : memref<32768x2048xf32, #tpu.memory_space<hbm>> -> memref<4x2048xf32, #tpu.memory_space<hbm>>
      %dma_wait3A_263 = arith.constant 0 : i32
      %dma_wait3A_264 = arith.constant 0 : i32
      %dma_wait3A_265 = tpu.memref_slice %arg6[%dma_wait3A_256, %dma_wait3A_263, %dma_wait3A_264] : memref<4x4x2048xf32, #tpu.memory_space<vmem>> -> memref<1x4x2048xf32, #tpu.memory_space<vmem>>
      %dma_wait3A_266 = tpu.memref_squeeze %dma_wait3A_265 : memref<1x4x2048xf32, #tpu.memory_space<vmem>> -> memref<4x2048xf32, #tpu.memory_space<vmem>>
      %dma_wait3A_267 = arith.constant 0 : i32
      %dma_wait3A_268 = tpu.memref_slice %arg2[%add3A_255, %dma_wait3A_267] : memref<32768x2048xf32, #tpu.memory_space<hbm>> -> memref<4x2048xf32, #tpu.memory_space<hbm>>
      tpu.wait_dma2 semaphore(%arg10 : memref<!tpu.dma_semaphore, #tpu.memory_space<semaphore_mem>>) src(%dma_wait3A_268 : memref<4x2048xf32, #tpu.memory_space<hbm>>) dst(%dma_wait3A_266 : memref<4x2048xf32, #tpu.memory_space<vmem>>)
      %gt3A_269 = arith.constant 0 : i32
      %gt3A_270 = arith.cmpi sgt, %scan3A_145, %gt3A_269 : i32
      %convert_element_type3A_271 = arith.extui %gt3A_270 : i1 to i32
      %cond3A_272 = arith.constant 0 : i32
      %cond3A_273 = arith.cmpi ne, %convert_element_type3A_271, %cond3A_272 : i32
      scf.if %cond3A_273 {
        %sub3A_357 = arith.constant 4 : i32
        %sub3A_358 = arith.subi %add3A_252, %sub3A_357 : i32
        %mul3A_359 = arith.constant 4 : i32
        %mul3A_360 = arith.muli %sub3A_358, %mul3A_359 : i32
        %add3A_361 = arith.addi %mul3A_18, %mul3A_360 : i32
        %dma_wait3A_362 = arith.constant 2 : i32
        %dma_wait3A_363 = arith.constant 0 : i32
        %dma_wait3A_364 = arith.constant 0 : i32
        %dma_wait3A_365 = tpu.memref_slice %arg7[%dma_wait3A_362, %dma_wait3A_363, %dma_wait3A_364] : memref<4x4x2048xf32, #tpu.memory_space<vmem>> -> memref<1x4x2048xf32, #tpu.memory_space<vmem>>
        %dma_wait3A_366 = tpu.memref_squeeze %dma_wait3A_365 : memref<1x4x2048xf32, #tpu.memory_space<vmem>> -> memref<4x2048xf32, #tpu.memory_space<vmem>>
        %dma_wait3A_367 = arith.constant 0 : i32
        %dma_wait3A_368 = tpu.memref_slice %arg4[%add3A_361, %dma_wait3A_367] : memref<32768x2048xf32, #tpu.memory_space<hbm>> -> memref<4x2048xf32, #tpu.memory_space<hbm>>
        %dma_wait3A_369 = arith.constant 0 : i32
        %dma_wait3A_370 = tpu.memref_slice %arg4[%add3A_361, %dma_wait3A_369] : memref<32768x2048xf32, #tpu.memory_space<hbm>> -> memref<4x2048xf32, #tpu.memory_space<hbm>>
        %dma_wait3A_371 = arith.constant 0 : i32
        %dma_wait3A_372 = arith.constant 0 : i32
        %dma_wait3A_373 = tpu.memref_slice %arg7[%dma_wait3A_362, %dma_wait3A_371, %dma_wait3A_372] : memref<4x4x2048xf32, #tpu.memory_space<vmem>> -> memref<1x4x2048xf32, #tpu.memory_space<vmem>>
        %dma_wait3A_374 = tpu.memref_squeeze %dma_wait3A_373 : memref<1x4x2048xf32, #tpu.memory_space<vmem>> -> memref<4x2048xf32, #tpu.memory_space<vmem>>
        tpu.wait_dma2 semaphore(%arg14 : memref<!tpu.dma_semaphore, #tpu.memory_space<semaphore_mem>>) src(%dma_wait3A_374 : memref<4x2048xf32, #tpu.memory_space<vmem>>) dst(%dma_wait3A_370 : memref<4x2048xf32, #tpu.memory_space<hbm>>)
      } else {
      }
      %mul3A_274 = arith.constant 4 : i32
      %mul3A_275 = arith.muli %add3A_252, %mul3A_274 : i32
      %add3A_276 = arith.addi %sub3A_21, %mul3A_275 : i32
      %sub3A_277 = arith.constant 2048 : i32
      %sub3A_278 = arith.subi %sub3A_277, %add3A_276 : i32
      %parallel_loop3A_279 = arith.constant 0 : i32
      %parallel_loop3A_280 = arith.constant 128 : i32
      %parallel_loop3A_281 = arith.constant 1 : i32
      scf.for %parallel_loop3A_357 = %parallel_loop3A_279 to %parallel_loop3A_280 step %parallel_loop3A_281  : i32 {
        %parallel_loop3A_358 = arith.constant 16 : i32
        %parallel_loop3A_359 = arith.muli %parallel_loop3A_357, %parallel_loop3A_358 : i32
        %parallel_loop3A_360 = arith.addi %sub3A_278, %parallel_loop3A_359 : i32
        %parallel_loop3A_361 = arith.constant 0 : i32
        %parallel_loop3A_362 = arith.subi %parallel_loop3A_360, %parallel_loop3A_361 : i32
        %parallel_loop3A_363 = arith.index_cast %parallel_loop3A_362 : i32 to index
        %parallel_loop3A_364 = tpu.vector_load %arg5[%parallel_loop3A_363] {strides = array<i32>} : memref<4096xf32, #tpu.memory_space<vmem>>, vector<16xf32>,
        %parallel_loop3A_365 = vector.shape_cast %parallel_loop3A_364 : vector<16xf32> to vector<16xf32>
        %parallel_loop3A_366 = arith.constant 2 : i32
        %parallel_loop3A_367 = arith.constant 0 : i32
        %parallel_loop3A_368 = arith.index_cast %parallel_loop3A_366 : i32 to index
        %parallel_loop3A_369 = arith.index_cast %parallel_loop3A_367 : i32 to index
        %parallel_loop3A_370 = arith.index_cast %parallel_loop3A_359 : i32 to index
        %parallel_loop3A_371 = tpu.vector_load %arg6[%parallel_loop3A_368, %parallel_loop3A_369, %parallel_loop3A_370] {strides = array<i32>} : memref<4x4x2048xf32, #tpu.memory_space<vmem>>, vector<1x1x16xf32>,
        %parallel_loop3A_372 = vector.shape_cast %parallel_loop3A_371 : vector<1x1x16xf32> to vector<16xf32>
        %parallel_loop3A_373 = arith.mulf %parallel_loop3A_372, %parallel_loop3A_365 : vector<16xf32>
        %parallel_loop3A_374 = arith.constant 2 : i32
        %parallel_loop3A_375 = arith.constant 0 : i32
        %parallel_loop3A_376 = arith.index_cast %parallel_loop3A_374 : i32 to index
        %parallel_loop3A_377 = arith.index_cast %parallel_loop3A_375 : i32 to index
        %parallel_loop3A_378 = arith.index_cast %parallel_loop3A_359 : i32 to index
        %parallel_loop3A_379 = tpu.vector_load %arg7[%parallel_loop3A_376, %parallel_loop3A_377, %parallel_loop3A_378] {strides = array<i32>} : memref<4x4x2048xf32, #tpu.memory_space<vmem>>, vector<1x1x16xf32>,
        %parallel_loop3A_380 = vector.shape_cast %parallel_loop3A_379 : vector<1x1x16xf32> to vector<16xf32>
        %parallel_loop3A_381 = vector.shape_cast %parallel_loop3A_373 : vector<16xf32> to vector<1x1x16xf32>
        tpu.vector_store %arg7[%parallel_loop3A_376, %parallel_loop3A_377, %parallel_loop3A_378], %parallel_loop3A_381 {strides = array<i32>} : memref<4x4x2048xf32, #tpu.memory_space<vmem>>, vector<1x1x16xf32>,
        %parallel_loop3A_382 = arith.constant 1 : i32
        %parallel_loop3A_383 = arith.subi %parallel_loop3A_360, %parallel_loop3A_382 : i32
        %parallel_loop3A_384 = arith.index_cast %parallel_loop3A_383 : i32 to index
        %parallel_loop3A_385 = tpu.vector_load %arg5[%parallel_loop3A_384] {strides = array<i32>} : memref<4096xf32, #tpu.memory_space<vmem>>, vector<16xf32>,
        %parallel_loop3A_386 = vector.shape_cast %parallel_loop3A_385 : vector<16xf32> to vector<16xf32>
        %parallel_loop3A_387 = arith.constant 2 : i32
        %parallel_loop3A_388 = arith.constant 1 : i32
        %parallel_loop3A_389 = arith.index_cast %parallel_loop3A_387 : i32 to index
        %parallel_loop3A_390 = arith.index_cast %parallel_loop3A_388 : i32 to index
        %parallel_loop3A_391 = arith.index_cast %parallel_loop3A_359 : i32 to index
        %parallel_loop3A_392 = tpu.vector_load %arg6[%parallel_loop3A_389, %parallel_loop3A_390, %parallel_loop3A_391] {strides = array<i32>} : memref<4x4x2048xf32, #tpu.memory_space<vmem>>, vector<1x1x16xf32>,
        %parallel_loop3A_393 = vector.shape_cast %parallel_loop3A_392 : vector<1x1x16xf32> to vector<16xf32>
        %parallel_loop3A_394 = arith.mulf %parallel_loop3A_393, %parallel_loop3A_386 : vector<16xf32>
        %parallel_loop3A_395 = arith.constant 2 : i32
        %parallel_loop3A_396 = arith.constant 1 : i32
        %parallel_loop3A_397 = arith.index_cast %parallel_loop3A_395 : i32 to index
        %parallel_loop3A_398 = arith.index_cast %parallel_loop3A_396 : i32 to index
        %parallel_loop3A_399 = arith.index_cast %parallel_loop3A_359 : i32 to index
        %parallel_loop3A_400 = tpu.vector_load %arg7[%parallel_loop3A_397, %parallel_loop3A_398, %parallel_loop3A_399] {strides = array<i32>} : memref<4x4x2048xf32, #tpu.memory_space<vmem>>, vector<1x1x16xf32>,
        %parallel_loop3A_401 = vector.shape_cast %parallel_loop3A_400 : vector<1x1x16xf32> to vector<16xf32>
        %parallel_loop3A_402 = vector.shape_cast %parallel_loop3A_394 : vector<16xf32> to vector<1x1x16xf32>
        tpu.vector_store %arg7[%parallel_loop3A_397, %parallel_loop3A_398, %parallel_loop3A_399], %parallel_loop3A_402 {strides = array<i32>} : memref<4x4x2048xf32, #tpu.memory_space<vmem>>, vector<1x1x16xf32>,
        %parallel_loop3A_403 = arith.constant 2 : i32
        %parallel_loop3A_404 = arith.subi %parallel_loop3A_360, %parallel_loop3A_403 : i32
        %parallel_loop3A_405 = arith.index_cast %parallel_loop3A_404 : i32 to index
        %parallel_loop3A_406 = tpu.vector_load %arg5[%parallel_loop3A_405] {strides = array<i32>} : memref<4096xf32, #tpu.memory_space<vmem>>, vector<16xf32>,
        %parallel_loop3A_407 = vector.shape_cast %parallel_loop3A_406 : vector<16xf32> to vector<16xf32>
        %parallel_loop3A_408 = arith.constant 2 : i32
        %parallel_loop3A_409 = arith.constant 2 : i32
        %parallel_loop3A_410 = arith.index_cast %parallel_loop3A_408 : i32 to index
        %parallel_loop3A_411 = arith.index_cast %parallel_loop3A_409 : i32 to index
        %parallel_loop3A_412 = arith.index_cast %parallel_loop3A_359 : i32 to index
        %parallel_loop3A_413 = tpu.vector_load %arg6[%parallel_loop3A_410, %parallel_loop3A_411, %parallel_loop3A_412] {strides = array<i32>} : memref<4x4x2048xf32, #tpu.memory_space<vmem>>, vector<1x1x16xf32>,
        %parallel_loop3A_414 = vector.shape_cast %parallel_loop3A_413 : vector<1x1x16xf32> to vector<16xf32>
        %parallel_loop3A_415 = arith.mulf %parallel_loop3A_414, %parallel_loop3A_407 : vector<16xf32>
        %parallel_loop3A_416 = arith.constant 2 : i32
        %parallel_loop3A_417 = arith.constant 2 : i32
        %parallel_loop3A_418 = arith.index_cast %parallel_loop3A_416 : i32 to index
        %parallel_loop3A_419 = arith.index_cast %parallel_loop3A_417 : i32 to index
        %parallel_loop3A_420 = arith.index_cast %parallel_loop3A_359 : i32 to index
        %parallel_loop3A_421 = tpu.vector_load %arg7[%parallel_loop3A_418, %parallel_loop3A_419, %parallel_loop3A_420] {strides = array<i32>} : memref<4x4x2048xf32, #tpu.memory_space<vmem>>, vector<1x1x16xf32>,
        %parallel_loop3A_422 = vector.shape_cast %parallel_loop3A_421 : vector<1x1x16xf32> to vector<16xf32>
        %parallel_loop3A_423 = vector.shape_cast %parallel_loop3A_415 : vector<16xf32> to vector<1x1x16xf32>
        tpu.vector_store %arg7[%parallel_loop3A_418, %parallel_loop3A_419, %parallel_loop3A_420], %parallel_loop3A_423 {strides = array<i32>} : memref<4x4x2048xf32, #tpu.memory_space<vmem>>, vector<1x1x16xf32>,
        %parallel_loop3A_424 = arith.constant 3 : i32
        %parallel_loop3A_425 = arith.subi %parallel_loop3A_360, %parallel_loop3A_424 : i32
        %parallel_loop3A_426 = arith.index_cast %parallel_loop3A_425 : i32 to index
        %parallel_loop3A_427 = tpu.vector_load %arg5[%parallel_loop3A_426] {strides = array<i32>} : memref<4096xf32, #tpu.memory_space<vmem>>, vector<16xf32>,
        %parallel_loop3A_428 = vector.shape_cast %parallel_loop3A_427 : vector<16xf32> to vector<16xf32>
        %parallel_loop3A_429 = arith.constant 2 : i32
        %parallel_loop3A_430 = arith.constant 3 : i32
        %parallel_loop3A_431 = arith.index_cast %parallel_loop3A_429 : i32 to index
        %parallel_loop3A_432 = arith.index_cast %parallel_loop3A_430 : i32 to index
        %parallel_loop3A_433 = arith.index_cast %parallel_loop3A_359 : i32 to index
        %parallel_loop3A_434 = tpu.vector_load %arg6[%parallel_loop3A_431, %parallel_loop3A_432, %parallel_loop3A_433] {strides = array<i32>} : memref<4x4x2048xf32, #tpu.memory_space<vmem>>, vector<1x1x16xf32>,
        %parallel_loop3A_435 = vector.shape_cast %parallel_loop3A_434 : vector<1x1x16xf32> to vector<16xf32>
        %parallel_loop3A_436 = arith.mulf %parallel_loop3A_435, %parallel_loop3A_428 : vector<16xf32>
        %parallel_loop3A_437 = arith.constant 2 : i32
        %parallel_loop3A_438 = arith.constant 3 : i32
        %parallel_loop3A_439 = arith.index_cast %parallel_loop3A_437 : i32 to index
        %parallel_loop3A_440 = arith.index_cast %parallel_loop3A_438 : i32 to index
        %parallel_loop3A_441 = arith.index_cast %parallel_loop3A_359 : i32 to index
        %parallel_loop3A_442 = tpu.vector_load %arg7[%parallel_loop3A_439, %parallel_loop3A_440, %parallel_loop3A_441] {strides = array<i32>} : memref<4x4x2048xf32, #tpu.memory_space<vmem>>, vector<1x1x16xf32>,
        %parallel_loop3A_443 = vector.shape_cast %parallel_loop3A_442 : vector<1x1x16xf32> to vector<16xf32>
        %parallel_loop3A_444 = vector.shape_cast %parallel_loop3A_436 : vector<16xf32> to vector<1x1x16xf32>
        tpu.vector_store %arg7[%parallel_loop3A_439, %parallel_loop3A_440, %parallel_loop3A_441], %parallel_loop3A_444 {strides = array<i32>} : memref<4x4x2048xf32, #tpu.memory_space<vmem>>, vector<1x1x16xf32>,
      } {sc.loop_unroll_factor = 4 : i64, sc.parallel_access}
      %mul3A_282 = arith.constant 4 : i32
      %mul3A_283 = arith.muli %add3A_252, %mul3A_282 : i32
      %add3A_284 = arith.addi %mul3A_18, %mul3A_283 : i32
      %dma_start3A_285 = arith.constant 2 : i32
      %dma_start3A_286 = arith.constant 0 : i32
      %dma_start3A_287 = arith.constant 0 : i32
      %dma_start3A_288 = tpu.memref_slice %arg7[%dma_start3A_285, %dma_start3A_286, %dma_start3A_287] : memref<4x4x2048xf32, #tpu.memory_space<vmem>> -> memref<1x4x2048xf32, #tpu.memory_space<vmem>>
      %dma_start3A_289 = tpu.memref_squeeze %dma_start3A_288 : memref<1x4x2048xf32, #tpu.memory_space<vmem>> -> memref<4x2048xf32, #tpu.memory_space<vmem>>
      %dma_start3A_290 = arith.constant 0 : i32
      %dma_start3A_291 = tpu.memref_slice %arg4[%add3A_284, %dma_start3A_290] : memref<32768x2048xf32, #tpu.memory_space<hbm>> -> memref<4x2048xf32, #tpu.memory_space<hbm>>
      %dma_start3A_292 = arith.constant 0 : i32
      %dma_start3A_293 = tpu.memref_slice %arg4[%add3A_284, %dma_start3A_292] : memref<32768x2048xf32, #tpu.memory_space<hbm>> -> memref<4x2048xf32, #tpu.memory_space<hbm>>
      %dma_start3A_294 = arith.constant 0 : i32
      %dma_start3A_295 = arith.constant 0 : i32
      %dma_start3A_296 = tpu.memref_slice %arg7[%dma_start3A_285, %dma_start3A_294, %dma_start3A_295] : memref<4x4x2048xf32, #tpu.memory_space<vmem>> -> memref<1x4x2048xf32, #tpu.memory_space<vmem>>
      %dma_start3A_297 = tpu.memref_squeeze %dma_start3A_296 : memref<1x4x2048xf32, #tpu.memory_space<vmem>> -> memref<4x2048xf32, #tpu.memory_space<vmem>>
      tpu.enqueue_dma source(%dma_start3A_297 : memref<4x2048xf32, #tpu.memory_space<vmem>>) target(%dma_start3A_293 : memref<4x2048xf32, #tpu.memory_space<hbm>>) target_semaphore(%arg14 : memref<!tpu.dma_semaphore, #tpu.memory_space<semaphore_mem>>)
      %lt3A_298 = arith.constant 63 : i32
      %lt3A_299 = arith.cmpi slt, %scan3A_145, %lt3A_298 : i32
      %convert_element_type3A_300 = arith.extui %lt3A_299 : i1 to i32
      %cond3A_301 = arith.constant 0 : i32
      %cond3A_302 = arith.cmpi ne, %convert_element_type3A_300, %cond3A_301 : i32
      scf.if %cond3A_302 {
        %add3A_357 = arith.constant 4 : i32
        %add3A_358 = arith.addi %add3A_252, %add3A_357 : i32
        %mul3A_359 = arith.constant 4 : i32
        %mul3A_360 = arith.muli %add3A_358, %mul3A_359 : i32
        %add3A_361 = arith.addi %mul3A_18, %mul3A_360 : i32
        %dma_start3A_362 = arith.constant 2 : i32
        %dma_start3A_363 = arith.constant 0 : i32
        %dma_start3A_364 = arith.constant 0 : i32
        %dma_start3A_365 = tpu.memref_slice %arg6[%dma_start3A_362, %dma_start3A_363, %dma_start3A_364] : memref<4x4x2048xf32, #tpu.memory_space<vmem>> -> memref<1x4x2048xf32, #tpu.memory_space<vmem>>
        %dma_start3A_366 = tpu.memref_squeeze %dma_start3A_365 : memref<1x4x2048xf32, #tpu.memory_space<vmem>> -> memref<4x2048xf32, #tpu.memory_space<vmem>>
        %dma_start3A_367 = arith.constant 0 : i32
        %dma_start3A_368 = tpu.memref_slice %arg2[%add3A_361, %dma_start3A_367] : memref<32768x2048xf32, #tpu.memory_space<hbm>> -> memref<4x2048xf32, #tpu.memory_space<hbm>>
        %dma_start3A_369 = arith.constant 0 : i32
        %dma_start3A_370 = arith.constant 0 : i32
        %dma_start3A_371 = tpu.memref_slice %arg6[%dma_start3A_362, %dma_start3A_369, %dma_start3A_370] : memref<4x4x2048xf32, #tpu.memory_space<vmem>> -> memref<1x4x2048xf32, #tpu.memory_space<vmem>>
        %dma_start3A_372 = tpu.memref_squeeze %dma_start3A_371 : memref<1x4x2048xf32, #tpu.memory_space<vmem>> -> memref<4x2048xf32, #tpu.memory_space<vmem>>
        %dma_start3A_373 = arith.constant 0 : i32
        %dma_start3A_374 = tpu.memref_slice %arg2[%add3A_361, %dma_start3A_373] : memref<32768x2048xf32, #tpu.memory_space<hbm>> -> memref<4x2048xf32, #tpu.memory_space<hbm>>
        tpu.enqueue_dma source(%dma_start3A_374 : memref<4x2048xf32, #tpu.memory_space<hbm>>) target(%dma_start3A_372 : memref<4x2048xf32, #tpu.memory_space<vmem>>) target_semaphore(%arg10 : memref<!tpu.dma_semaphore, #tpu.memory_space<semaphore_mem>>)
      } else {
      }
      %mul3A_303 = arith.constant 4 : i32
      %mul3A_304 = arith.muli %scan3A_145, %mul3A_303 : i32
      %add3A_305 = arith.constant 3 : i32
      %add3A_306 = arith.addi %mul3A_304, %add3A_305 : i32
      %mul3A_307 = arith.constant 4 : i32
      %mul3A_308 = arith.muli %add3A_306, %mul3A_307 : i32
      %add3A_309 = arith.addi %mul3A_18, %mul3A_308 : i32
      %dma_wait3A_310 = arith.constant 3 : i32
      %dma_wait3A_311 = arith.constant 0 : i32
      %dma_wait3A_312 = arith.constant 0 : i32
      %dma_wait3A_313 = tpu.memref_slice %arg6[%dma_wait3A_310, %dma_wait3A_311, %dma_wait3A_312] : memref<4x4x2048xf32, #tpu.memory_space<vmem>> -> memref<1x4x2048xf32, #tpu.memory_space<vmem>>
      %dma_wait3A_314 = tpu.memref_squeeze %dma_wait3A_313 : memref<1x4x2048xf32, #tpu.memory_space<vmem>> -> memref<4x2048xf32, #tpu.memory_space<vmem>>
      %dma_wait3A_315 = arith.constant 0 : i32
      %dma_wait3A_316 = tpu.memref_slice %arg2[%add3A_309, %dma_wait3A_315] : memref<32768x2048xf32, #tpu.memory_space<hbm>> -> memref<4x2048xf32, #tpu.memory_space<hbm>>
      %dma_wait3A_317 = arith.constant 0 : i32
      %dma_wait3A_318 = arith.constant 0 : i32
      %dma_wait3A_319 = tpu.memref_slice %arg6[%dma_wait3A_310, %dma_wait3A_317, %dma_wait3A_318] : memref<4x4x2048xf32, #tpu.memory_space<vmem>> -> memref<1x4x2048xf32, #tpu.memory_space<vmem>>
      %dma_wait3A_320 = tpu.memref_squeeze %dma_wait3A_319 : memref<1x4x2048xf32, #tpu.memory_space<vmem>> -> memref<4x2048xf32, #tpu.memory_space<vmem>>
      %dma_wait3A_321 = arith.constant 0 : i32
      %dma_wait3A_322 = tpu.memref_slice %arg2[%add3A_309, %dma_wait3A_321] : memref<32768x2048xf32, #tpu.memory_space<hbm>> -> memref<4x2048xf32, #tpu.memory_space<hbm>>
      tpu.wait_dma2 semaphore(%arg11 : memref<!tpu.dma_semaphore, #tpu.memory_space<semaphore_mem>>) src(%dma_wait3A_322 : memref<4x2048xf32, #tpu.memory_space<hbm>>) dst(%dma_wait3A_320 : memref<4x2048xf32, #tpu.memory_space<vmem>>)
      %gt3A_323 = arith.constant 0 : i32
      %gt3A_324 = arith.cmpi sgt, %scan3A_145, %gt3A_323 : i32
      %convert_element_type3A_325 = arith.extui %gt3A_324 : i1 to i32
      %cond3A_326 = arith.constant 0 : i32
      %cond3A_327 = arith.cmpi ne, %convert_element_type3A_325, %cond3A_326 : i32
      scf.if %cond3A_327 {
        %sub3A_357 = arith.constant 4 : i32
        %sub3A_358 = arith.subi %add3A_306, %sub3A_357 : i32
        %mul3A_359 = arith.constant 4 : i32
        %mul3A_360 = arith.muli %sub3A_358, %mul3A_359 : i32
        %add3A_361 = arith.addi %mul3A_18, %mul3A_360 : i32
        %dma_wait3A_362 = arith.constant 3 : i32
        %dma_wait3A_363 = arith.constant 0 : i32
        %dma_wait3A_364 = arith.constant 0 : i32
        %dma_wait3A_365 = tpu.memref_slice %arg7[%dma_wait3A_362, %dma_wait3A_363, %dma_wait3A_364] : memref<4x4x2048xf32, #tpu.memory_space<vmem>> -> memref<1x4x2048xf32, #tpu.memory_space<vmem>>
        %dma_wait3A_366 = tpu.memref_squeeze %dma_wait3A_365 : memref<1x4x2048xf32, #tpu.memory_space<vmem>> -> memref<4x2048xf32, #tpu.memory_space<vmem>>
        %dma_wait3A_367 = arith.constant 0 : i32
        %dma_wait3A_368 = tpu.memref_slice %arg4[%add3A_361, %dma_wait3A_367] : memref<32768x2048xf32, #tpu.memory_space<hbm>> -> memref<4x2048xf32, #tpu.memory_space<hbm>>
        %dma_wait3A_369 = arith.constant 0 : i32
        %dma_wait3A_370 = tpu.memref_slice %arg4[%add3A_361, %dma_wait3A_369] : memref<32768x2048xf32, #tpu.memory_space<hbm>> -> memref<4x2048xf32, #tpu.memory_space<hbm>>
        %dma_wait3A_371 = arith.constant 0 : i32
        %dma_wait3A_372 = arith.constant 0 : i32
        %dma_wait3A_373 = tpu.memref_slice %arg7[%dma_wait3A_362, %dma_wait3A_371, %dma_wait3A_372] : memref<4x4x2048xf32, #tpu.memory_space<vmem>> -> memref<1x4x2048xf32, #tpu.memory_space<vmem>>
        %dma_wait3A_374 = tpu.memref_squeeze %dma_wait3A_373 : memref<1x4x2048xf32, #tpu.memory_space<vmem>> -> memref<4x2048xf32, #tpu.memory_space<vmem>>
        tpu.wait_dma2 semaphore(%arg15 : memref<!tpu.dma_semaphore, #tpu.memory_space<semaphore_mem>>) src(%dma_wait3A_374 : memref<4x2048xf32, #tpu.memory_space<vmem>>) dst(%dma_wait3A_370 : memref<4x2048xf32, #tpu.memory_space<hbm>>)
      } else {
      }
      %mul3A_328 = arith.constant 4 : i32
      %mul3A_329 = arith.muli %add3A_306, %mul3A_328 : i32
      %add3A_330 = arith.addi %sub3A_21, %mul3A_329 : i32
      %sub3A_331 = arith.constant 2048 : i32
      %sub3A_332 = arith.subi %sub3A_331, %add3A_330 : i32
      %parallel_loop3A_333 = arith.constant 0 : i32
      %parallel_loop3A_334 = arith.constant 128 : i32
      %parallel_loop3A_335 = arith.constant 1 : i32
      scf.for %parallel_loop3A_357 = %parallel_loop3A_333 to %parallel_loop3A_334 step %parallel_loop3A_335  : i32 {
        %parallel_loop3A_358 = arith.constant 16 : i32
        %parallel_loop3A_359 = arith.muli %parallel_loop3A_357, %parallel_loop3A_358 : i32
        %parallel_loop3A_360 = arith.addi %sub3A_332, %parallel_loop3A_359 : i32
        %parallel_loop3A_361 = arith.constant 0 : i32
        %parallel_loop3A_362 = arith.subi %parallel_loop3A_360, %parallel_loop3A_361 : i32
        %parallel_loop3A_363 = arith.index_cast %parallel_loop3A_362 : i32 to index
        %parallel_loop3A_364 = tpu.vector_load %arg5[%parallel_loop3A_363] {strides = array<i32>} : memref<4096xf32, #tpu.memory_space<vmem>>, vector<16xf32>,
        %parallel_loop3A_365 = vector.shape_cast %parallel_loop3A_364 : vector<16xf32> to vector<16xf32>
        %parallel_loop3A_366 = arith.constant 3 : i32
        %parallel_loop3A_367 = arith.constant 0 : i32
        %parallel_loop3A_368 = arith.index_cast %parallel_loop3A_366 : i32 to index
        %parallel_loop3A_369 = arith.index_cast %parallel_loop3A_367 : i32 to index
        %parallel_loop3A_370 = arith.index_cast %parallel_loop3A_359 : i32 to index
        %parallel_loop3A_371 = tpu.vector_load %arg6[%parallel_loop3A_368, %parallel_loop3A_369, %parallel_loop3A_370] {strides = array<i32>} : memref<4x4x2048xf32, #tpu.memory_space<vmem>>, vector<1x1x16xf32>,
        %parallel_loop3A_372 = vector.shape_cast %parallel_loop3A_371 : vector<1x1x16xf32> to vector<16xf32>
        %parallel_loop3A_373 = arith.mulf %parallel_loop3A_372, %parallel_loop3A_365 : vector<16xf32>
        %parallel_loop3A_374 = arith.constant 3 : i32
        %parallel_loop3A_375 = arith.constant 0 : i32
        %parallel_loop3A_376 = arith.index_cast %parallel_loop3A_374 : i32 to index
        %parallel_loop3A_377 = arith.index_cast %parallel_loop3A_375 : i32 to index
        %parallel_loop3A_378 = arith.index_cast %parallel_loop3A_359 : i32 to index
        %parallel_loop3A_379 = tpu.vector_load %arg7[%parallel_loop3A_376, %parallel_loop3A_377, %parallel_loop3A_378] {strides = array<i32>} : memref<4x4x2048xf32, #tpu.memory_space<vmem>>, vector<1x1x16xf32>,
        %parallel_loop3A_380 = vector.shape_cast %parallel_loop3A_379 : vector<1x1x16xf32> to vector<16xf32>
        %parallel_loop3A_381 = vector.shape_cast %parallel_loop3A_373 : vector<16xf32> to vector<1x1x16xf32>
        tpu.vector_store %arg7[%parallel_loop3A_376, %parallel_loop3A_377, %parallel_loop3A_378], %parallel_loop3A_381 {strides = array<i32>} : memref<4x4x2048xf32, #tpu.memory_space<vmem>>, vector<1x1x16xf32>,
        %parallel_loop3A_382 = arith.constant 1 : i32
        %parallel_loop3A_383 = arith.subi %parallel_loop3A_360, %parallel_loop3A_382 : i32
        %parallel_loop3A_384 = arith.index_cast %parallel_loop3A_383 : i32 to index
        %parallel_loop3A_385 = tpu.vector_load %arg5[%parallel_loop3A_384] {strides = array<i32>} : memref<4096xf32, #tpu.memory_space<vmem>>, vector<16xf32>,
        %parallel_loop3A_386 = vector.shape_cast %parallel_loop3A_385 : vector<16xf32> to vector<16xf32>
        %parallel_loop3A_387 = arith.constant 3 : i32
        %parallel_loop3A_388 = arith.constant 1 : i32
        %parallel_loop3A_389 = arith.index_cast %parallel_loop3A_387 : i32 to index
        %parallel_loop3A_390 = arith.index_cast %parallel_loop3A_388 : i32 to index
        %parallel_loop3A_391 = arith.index_cast %parallel_loop3A_359 : i32 to index
        %parallel_loop3A_392 = tpu.vector_load %arg6[%parallel_loop3A_389, %parallel_loop3A_390, %parallel_loop3A_391] {strides = array<i32>} : memref<4x4x2048xf32, #tpu.memory_space<vmem>>, vector<1x1x16xf32>,
        %parallel_loop3A_393 = vector.shape_cast %parallel_loop3A_392 : vector<1x1x16xf32> to vector<16xf32>
        %parallel_loop3A_394 = arith.mulf %parallel_loop3A_393, %parallel_loop3A_386 : vector<16xf32>
        %parallel_loop3A_395 = arith.constant 3 : i32
        %parallel_loop3A_396 = arith.constant 1 : i32
        %parallel_loop3A_397 = arith.index_cast %parallel_loop3A_395 : i32 to index
        %parallel_loop3A_398 = arith.index_cast %parallel_loop3A_396 : i32 to index
        %parallel_loop3A_399 = arith.index_cast %parallel_loop3A_359 : i32 to index
        %parallel_loop3A_400 = tpu.vector_load %arg7[%parallel_loop3A_397, %parallel_loop3A_398, %parallel_loop3A_399] {strides = array<i32>} : memref<4x4x2048xf32, #tpu.memory_space<vmem>>, vector<1x1x16xf32>,
        %parallel_loop3A_401 = vector.shape_cast %parallel_loop3A_400 : vector<1x1x16xf32> to vector<16xf32>
        %parallel_loop3A_402 = vector.shape_cast %parallel_loop3A_394 : vector<16xf32> to vector<1x1x16xf32>
        tpu.vector_store %arg7[%parallel_loop3A_397, %parallel_loop3A_398, %parallel_loop3A_399], %parallel_loop3A_402 {strides = array<i32>} : memref<4x4x2048xf32, #tpu.memory_space<vmem>>, vector<1x1x16xf32>,
        %parallel_loop3A_403 = arith.constant 2 : i32
        %parallel_loop3A_404 = arith.subi %parallel_loop3A_360, %parallel_loop3A_403 : i32
        %parallel_loop3A_405 = arith.index_cast %parallel_loop3A_404 : i32 to index
        %parallel_loop3A_406 = tpu.vector_load %arg5[%parallel_loop3A_405] {strides = array<i32>} : memref<4096xf32, #tpu.memory_space<vmem>>, vector<16xf32>,
        %parallel_loop3A_407 = vector.shape_cast %parallel_loop3A_406 : vector<16xf32> to vector<16xf32>
        %parallel_loop3A_408 = arith.constant 3 : i32
        %parallel_loop3A_409 = arith.constant 2 : i32
        %parallel_loop3A_410 = arith.index_cast %parallel_loop3A_408 : i32 to index
        %parallel_loop3A_411 = arith.index_cast %parallel_loop3A_409 : i32 to index
        %parallel_loop3A_412 = arith.index_cast %parallel_loop3A_359 : i32 to index
        %parallel_loop3A_413 = tpu.vector_load %arg6[%parallel_loop3A_410, %parallel_loop3A_411, %parallel_loop3A_412] {strides = array<i32>} : memref<4x4x2048xf32, #tpu.memory_space<vmem>>, vector<1x1x16xf32>,
        %parallel_loop3A_414 = vector.shape_cast %parallel_loop3A_413 : vector<1x1x16xf32> to vector<16xf32>
        %parallel_loop3A_415 = arith.mulf %parallel_loop3A_414, %parallel_loop3A_407 : vector<16xf32>
        %parallel_loop3A_416 = arith.constant 3 : i32
        %parallel_loop3A_417 = arith.constant 2 : i32
        %parallel_loop3A_418 = arith.index_cast %parallel_loop3A_416 : i32 to index
        %parallel_loop3A_419 = arith.index_cast %parallel_loop3A_417 : i32 to index
        %parallel_loop3A_420 = arith.index_cast %parallel_loop3A_359 : i32 to index
        %parallel_loop3A_421 = tpu.vector_load %arg7[%parallel_loop3A_418, %parallel_loop3A_419, %parallel_loop3A_420] {strides = array<i32>} : memref<4x4x2048xf32, #tpu.memory_space<vmem>>, vector<1x1x16xf32>,
        %parallel_loop3A_422 = vector.shape_cast %parallel_loop3A_421 : vector<1x1x16xf32> to vector<16xf32>
        %parallel_loop3A_423 = vector.shape_cast %parallel_loop3A_415 : vector<16xf32> to vector<1x1x16xf32>
        tpu.vector_store %arg7[%parallel_loop3A_418, %parallel_loop3A_419, %parallel_loop3A_420], %parallel_loop3A_423 {strides = array<i32>} : memref<4x4x2048xf32, #tpu.memory_space<vmem>>, vector<1x1x16xf32>,
        %parallel_loop3A_424 = arith.constant 3 : i32
        %parallel_loop3A_425 = arith.subi %parallel_loop3A_360, %parallel_loop3A_424 : i32
        %parallel_loop3A_426 = arith.index_cast %parallel_loop3A_425 : i32 to index
        %parallel_loop3A_427 = tpu.vector_load %arg5[%parallel_loop3A_426] {strides = array<i32>} : memref<4096xf32, #tpu.memory_space<vmem>>, vector<16xf32>,
        %parallel_loop3A_428 = vector.shape_cast %parallel_loop3A_427 : vector<16xf32> to vector<16xf32>
        %parallel_loop3A_429 = arith.constant 3 : i32
        %parallel_loop3A_430 = arith.constant 3 : i32
        %parallel_loop3A_431 = arith.index_cast %parallel_loop3A_429 : i32 to index
        %parallel_loop3A_432 = arith.index_cast %parallel_loop3A_430 : i32 to index
        %parallel_loop3A_433 = arith.index_cast %parallel_loop3A_359 : i32 to index
        %parallel_loop3A_434 = tpu.vector_load %arg6[%parallel_loop3A_431, %parallel_loop3A_432, %parallel_loop3A_433] {strides = array<i32>} : memref<4x4x2048xf32, #tpu.memory_space<vmem>>, vector<1x1x16xf32>,
        %parallel_loop3A_435 = vector.shape_cast %parallel_loop3A_434 : vector<1x1x16xf32> to vector<16xf32>
        %parallel_loop3A_436 = arith.mulf %parallel_loop3A_435, %parallel_loop3A_428 : vector<16xf32>
        %parallel_loop3A_437 = arith.constant 3 : i32
        %parallel_loop3A_438 = arith.constant 3 : i32
        %parallel_loop3A_439 = arith.index_cast %parallel_loop3A_437 : i32 to index
        %parallel_loop3A_440 = arith.index_cast %parallel_loop3A_438 : i32 to index
        %parallel_loop3A_441 = arith.index_cast %parallel_loop3A_359 : i32 to index
        %parallel_loop3A_442 = tpu.vector_load %arg7[%parallel_loop3A_439, %parallel_loop3A_440, %parallel_loop3A_441] {strides = array<i32>} : memref<4x4x2048xf32, #tpu.memory_space<vmem>>, vector<1x1x16xf32>,
        %parallel_loop3A_443 = vector.shape_cast %parallel_loop3A_442 : vector<1x1x16xf32> to vector<16xf32>
        %parallel_loop3A_444 = vector.shape_cast %parallel_loop3A_436 : vector<16xf32> to vector<1x1x16xf32>
        tpu.vector_store %arg7[%parallel_loop3A_439, %parallel_loop3A_440, %parallel_loop3A_441], %parallel_loop3A_444 {strides = array<i32>} : memref<4x4x2048xf32, #tpu.memory_space<vmem>>, vector<1x1x16xf32>,
      } {sc.loop_unroll_factor = 4 : i64, sc.parallel_access}
      %mul3A_336 = arith.constant 4 : i32
      %mul3A_337 = arith.muli %add3A_306, %mul3A_336 : i32
      %add3A_338 = arith.addi %mul3A_18, %mul3A_337 : i32
      %dma_start3A_339 = arith.constant 3 : i32
      %dma_start3A_340 = arith.constant 0 : i32
      %dma_start3A_341 = arith.constant 0 : i32
      %dma_start3A_342 = tpu.memref_slice %arg7[%dma_start3A_339, %dma_start3A_340, %dma_start3A_341] : memref<4x4x2048xf32, #tpu.memory_space<vmem>> -> memref<1x4x2048xf32, #tpu.memory_space<vmem>>
      %dma_start3A_343 = tpu.memref_squeeze %dma_start3A_342 : memref<1x4x2048xf32, #tpu.memory_space<vmem>> -> memref<4x2048xf32, #tpu.memory_space<vmem>>
      %dma_start3A_344 = arith.constant 0 : i32
      %dma_start3A_345 = tpu.memref_slice %arg4[%add3A_338, %dma_start3A_344] : memref<32768x2048xf32, #tpu.memory_space<hbm>> -> memref<4x2048xf32, #tpu.memory_space<hbm>>
      %dma_start3A_346 = arith.constant 0 : i32
      %dma_start3A_347 = tpu.memref_slice %arg4[%add3A_338, %dma_start3A_346] : memref<32768x2048xf32, #tpu.memory_space<hbm>> -> memref<4x2048xf32, #tpu.memory_space<hbm>>
      %dma_start3A_348 = arith.constant 0 : i32
      %dma_start3A_349 = arith.constant 0 : i32
      %dma_start3A_350 = tpu.memref_slice %arg7[%dma_start3A_339, %dma_start3A_348, %dma_start3A_349] : memref<4x4x2048xf32, #tpu.memory_space<vmem>> -> memref<1x4x2048xf32, #tpu.memory_space<vmem>>
      %dma_start3A_351 = tpu.memref_squeeze %dma_start3A_350 : memref<1x4x2048xf32, #tpu.memory_space<vmem>> -> memref<4x2048xf32, #tpu.memory_space<vmem>>
      tpu.enqueue_dma source(%dma_start3A_351 : memref<4x2048xf32, #tpu.memory_space<vmem>>) target(%dma_start3A_347 : memref<4x2048xf32, #tpu.memory_space<hbm>>) target_semaphore(%arg15 : memref<!tpu.dma_semaphore, #tpu.memory_space<semaphore_mem>>)
      %lt3A_352 = arith.constant 63 : i32
      %lt3A_353 = arith.cmpi slt, %scan3A_145, %lt3A_352 : i32
      %convert_element_type3A_354 = arith.extui %lt3A_353 : i1 to i32
      %cond3A_355 = arith.constant 0 : i32
      %cond3A_356 = arith.cmpi ne, %convert_element_type3A_354, %cond3A_355 : i32
      scf.if %cond3A_356 {
        %add3A_357 = arith.constant 4 : i32
        %add3A_358 = arith.addi %add3A_306, %add3A_357 : i32
        %mul3A_359 = arith.constant 4 : i32
        %mul3A_360 = arith.muli %add3A_358, %mul3A_359 : i32
        %add3A_361 = arith.addi %mul3A_18, %mul3A_360 : i32
        %dma_start3A_362 = arith.constant 3 : i32
        %dma_start3A_363 = arith.constant 0 : i32
        %dma_start3A_364 = arith.constant 0 : i32
        %dma_start3A_365 = tpu.memref_slice %arg6[%dma_start3A_362, %dma_start3A_363, %dma_start3A_364] : memref<4x4x2048xf32, #tpu.memory_space<vmem>> -> memref<1x4x2048xf32, #tpu.memory_space<vmem>>
        %dma_start3A_366 = tpu.memref_squeeze %dma_start3A_365 : memref<1x4x2048xf32, #tpu.memory_space<vmem>> -> memref<4x2048xf32, #tpu.memory_space<vmem>>
        %dma_start3A_367 = arith.constant 0 : i32
        %dma_start3A_368 = tpu.memref_slice %arg2[%add3A_361, %dma_start3A_367] : memref<32768x2048xf32, #tpu.memory_space<hbm>> -> memref<4x2048xf32, #tpu.memory_space<hbm>>
        %dma_start3A_369 = arith.constant 0 : i32
        %dma_start3A_370 = arith.constant 0 : i32
        %dma_start3A_371 = tpu.memref_slice %arg6[%dma_start3A_362, %dma_start3A_369, %dma_start3A_370] : memref<4x4x2048xf32, #tpu.memory_space<vmem>> -> memref<1x4x2048xf32, #tpu.memory_space<vmem>>
        %dma_start3A_372 = tpu.memref_squeeze %dma_start3A_371 : memref<1x4x2048xf32, #tpu.memory_space<vmem>> -> memref<4x2048xf32, #tpu.memory_space<vmem>>
        %dma_start3A_373 = arith.constant 0 : i32
        %dma_start3A_374 = tpu.memref_slice %arg2[%add3A_361, %dma_start3A_373] : memref<32768x2048xf32, #tpu.memory_space<hbm>> -> memref<4x2048xf32, #tpu.memory_space<hbm>>
        tpu.enqueue_dma source(%dma_start3A_374 : memref<4x2048xf32, #tpu.memory_space<hbm>>) target(%dma_start3A_372 : memref<4x2048xf32, #tpu.memory_space<vmem>>) target_semaphore(%arg11 : memref<!tpu.dma_semaphore, #tpu.memory_space<semaphore_mem>>)
      } else {
      }
    }
    %scan3A_85 = arith.constant 64 : i32
    %add3A_86 = arith.constant 1008 : i32
    %add3A_87 = arith.addi %mul3A_18, %add3A_86 : i32
    %dma_wait3A = arith.constant 0 : i32
    %dma_wait3A_88 = arith.constant 0 : i32
    %dma_wait3A_89 = arith.constant 0 : i32
    %dma_wait3A_90 = tpu.memref_slice %arg7[%dma_wait3A, %dma_wait3A_88, %dma_wait3A_89] : memref<4x4x2048xf32, #tpu.memory_space<vmem>> -> memref<1x4x2048xf32, #tpu.memory_space<vmem>>
    %dma_wait3A_91 = tpu.memref_squeeze %dma_wait3A_90 : memref<1x4x2048xf32, #tpu.memory_space<vmem>> -> memref<4x2048xf32, #tpu.memory_space<vmem>>
    %dma_wait3A_92 = arith.constant 0 : i32
    %dma_wait3A_93 = tpu.memref_slice %arg4[%add3A_87, %dma_wait3A_92] : memref<32768x2048xf32, #tpu.memory_space<hbm>> -> memref<4x2048xf32, #tpu.memory_space<hbm>>
    %dma_wait3A_94 = arith.constant 0 : i32
    %dma_wait3A_95 = tpu.memref_slice %arg4[%add3A_87, %dma_wait3A_94] : memref<32768x2048xf32, #tpu.memory_space<hbm>> -> memref<4x2048xf32, #tpu.memory_space<hbm>>
    %dma_wait3A_96 = arith.constant 0 : i32
    %dma_wait3A_97 = arith.constant 0 : i32
    %dma_wait3A_98 = tpu.memref_slice %arg7[%dma_wait3A, %dma_wait3A_96, %dma_wait3A_97] : memref<4x4x2048xf32, #tpu.memory_space<vmem>> -> memref<1x4x2048xf32, #tpu.memory_space<vmem>>
    %dma_wait3A_99 = tpu.memref_squeeze %dma_wait3A_98 : memref<1x4x2048xf32, #tpu.memory_space<vmem>> -> memref<4x2048xf32, #tpu.memory_space<vmem>>
    tpu.wait_dma2 semaphore(%arg12 : memref<!tpu.dma_semaphore, #tpu.memory_space<semaphore_mem>>) src(%dma_wait3A_99 : memref<4x2048xf32, #tpu.memory_space<vmem>>) dst(%dma_wait3A_95 : memref<4x2048xf32, #tpu.memory_space<hbm>>)
    %add3A_100 = arith.constant 1012 : i32
    %add3A_101 = arith.addi %mul3A_18, %add3A_100 : i32
    %dma_wait3A_102 = arith.constant 1 : i32
    %dma_wait3A_103 = arith.constant 0 : i32
    %dma_wait3A_104 = arith.constant 0 : i32
    %dma_wait3A_105 = tpu.memref_slice %arg7[%dma_wait3A_102, %dma_wait3A_103, %dma_wait3A_104] : memref<4x4x2048xf32, #tpu.memory_space<vmem>> -> memref<1x4x2048xf32, #tpu.memory_space<vmem>>
    %dma_wait3A_106 = tpu.memref_squeeze %dma_wait3A_105 : memref<1x4x2048xf32, #tpu.memory_space<vmem>> -> memref<4x2048xf32, #tpu.memory_space<vmem>>
    %dma_wait3A_107 = arith.constant 0 : i32
    %dma_wait3A_108 = tpu.memref_slice %arg4[%add3A_101, %dma_wait3A_107] : memref<32768x2048xf32, #tpu.memory_space<hbm>> -> memref<4x2048xf32, #tpu.memory_space<hbm>>
    %dma_wait3A_109 = arith.constant 0 : i32
    %dma_wait3A_110 = tpu.memref_slice %arg4[%add3A_101, %dma_wait3A_109] : memref<32768x2048xf32, #tpu.memory_space<hbm>> -> memref<4x2048xf32, #tpu.memory_space<hbm>>
    %dma_wait3A_111 = arith.constant 0 : i32
    %dma_wait3A_112 = arith.constant 0 : i32
    %dma_wait3A_113 = tpu.memref_slice %arg7[%dma_wait3A_102, %dma_wait3A_111, %dma_wait3A_112] : memref<4x4x2048xf32, #tpu.memory_space<vmem>> -> memref<1x4x2048xf32, #tpu.memory_space<vmem>>
    %dma_wait3A_114 = tpu.memref_squeeze %dma_wait3A_113 : memref<1x4x2048xf32, #tpu.memory_space<vmem>> -> memref<4x2048xf32, #tpu.memory_space<vmem>>
    tpu.wait_dma2 semaphore(%arg13 : memref<!tpu.dma_semaphore, #tpu.memory_space<semaphore_mem>>) src(%dma_wait3A_114 : memref<4x2048xf32, #tpu.memory_space<vmem>>) dst(%dma_wait3A_110 : memref<4x2048xf32, #tpu.memory_space<hbm>>)
    %add3A_115 = arith.constant 1016 : i32
    %add3A_116 = arith.addi %mul3A_18, %add3A_115 : i32
    %dma_wait3A_117 = arith.constant 2 : i32
    %dma_wait3A_118 = arith.constant 0 : i32
    %dma_wait3A_119 = arith.constant 0 : i32
    %dma_wait3A_120 = tpu.memref_slice %arg7[%dma_wait3A_117, %dma_wait3A_118, %dma_wait3A_119] : memref<4x4x2048xf32, #tpu.memory_space<vmem>> -> memref<1x4x2048xf32, #tpu.memory_space<vmem>>
    %dma_wait3A_121 = tpu.memref_squeeze %dma_wait3A_120 : memref<1x4x2048xf32, #tpu.memory_space<vmem>> -> memref<4x2048xf32, #tpu.memory_space<vmem>>
    %dma_wait3A_122 = arith.constant 0 : i32
    %dma_wait3A_123 = tpu.memref_slice %arg4[%add3A_116, %dma_wait3A_122] : memref<32768x2048xf32, #tpu.memory_space<hbm>> -> memref<4x2048xf32, #tpu.memory_space<hbm>>
    %dma_wait3A_124 = arith.constant 0 : i32
    %dma_wait3A_125 = tpu.memref_slice %arg4[%add3A_116, %dma_wait3A_124] : memref<32768x2048xf32, #tpu.memory_space<hbm>> -> memref<4x2048xf32, #tpu.memory_space<hbm>>
    %dma_wait3A_126 = arith.constant 0 : i32
    %dma_wait3A_127 = arith.constant 0 : i32
    %dma_wait3A_128 = tpu.memref_slice %arg7[%dma_wait3A_117, %dma_wait3A_126, %dma_wait3A_127] : memref<4x4x2048xf32, #tpu.memory_space<vmem>> -> memref<1x4x2048xf32, #tpu.memory_space<vmem>>
    %dma_wait3A_129 = tpu.memref_squeeze %dma_wait3A_128 : memref<1x4x2048xf32, #tpu.memory_space<vmem>> -> memref<4x2048xf32, #tpu.memory_space<vmem>>
    tpu.wait_dma2 semaphore(%arg14 : memref<!tpu.dma_semaphore, #tpu.memory_space<semaphore_mem>>) src(%dma_wait3A_129 : memref<4x2048xf32, #tpu.memory_space<vmem>>) dst(%dma_wait3A_125 : memref<4x2048xf32, #tpu.memory_space<hbm>>)
    %add3A_130 = arith.constant 1020 : i32
    %add3A_131 = arith.addi %mul3A_18, %add3A_130 : i32
    %dma_wait3A_132 = arith.constant 3 : i32
    %dma_wait3A_133 = arith.constant 0 : i32
    %dma_wait3A_134 = arith.constant 0 : i32
    %dma_wait3A_135 = tpu.memref_slice %arg7[%dma_wait3A_132, %dma_wait3A_133, %dma_wait3A_134] : memref<4x4x2048xf32, #tpu.memory_space<vmem>> -> memref<1x4x2048xf32, #tpu.memory_space<vmem>>
    %dma_wait3A_136 = tpu.memref_squeeze %dma_wait3A_135 : memref<1x4x2048xf32, #tpu.memory_space<vmem>> -> memref<4x2048xf32, #tpu.memory_space<vmem>>
    %dma_wait3A_137 = arith.constant 0 : i32
    %dma_wait3A_138 = tpu.memref_slice %arg4[%add3A_131, %dma_wait3A_137] : memref<32768x2048xf32, #tpu.memory_space<hbm>> -> memref<4x2048xf32, #tpu.memory_space<hbm>>
    %dma_wait3A_139 = arith.constant 0 : i32
    %dma_wait3A_140 = tpu.memref_slice %arg4[%add3A_131, %dma_wait3A_139] : memref<32768x2048xf32, #tpu.memory_space<hbm>> -> memref<4x2048xf32, #tpu.memory_space<hbm>>
    %dma_wait3A_141 = arith.constant 0 : i32
    %dma_wait3A_142 = arith.constant 0 : i32
    %dma_wait3A_143 = tpu.memref_slice %arg7[%dma_wait3A_132, %dma_wait3A_141, %dma_wait3A_142] : memref<4x4x2048xf32, #tpu.memory_space<vmem>> -> memref<1x4x2048xf32, #tpu.memory_space<vmem>>
    %dma_wait3A_144 = tpu.memref_squeeze %dma_wait3A_143 : memref<1x4x2048xf32, #tpu.memory_space<vmem>> -> memref<4x2048xf32, #tpu.memory_space<vmem>>
    tpu.wait_dma2 semaphore(%arg15 : memref<!tpu.dma_semaphore, #tpu.memory_space<semaphore_mem>>) src(%dma_wait3A_144 : memref<4x2048xf32, #tpu.memory_space<vmem>>) dst(%dma_wait3A_140 : memref<4x2048xf32, #tpu.memory_space<hbm>>)
    return
  }
}

</mosaic_0001>

<sc_bundles>
// kernel: kernel.3.cloned.1.call-start
scs
__scs_entry_jumppad:
0x0: {  	(pc) =	sbr.rel $0x88, $3  }
0x1: {  	(tag) =	ssettag $0x0;
	lr =	simm.s32 $0x1  }
0x2: {  	[smem:$0x3F9F] =	sst lr;
	_ =	strace $0xD0000000  }
0x3: {  	_ = 	snop  }
0x4: {  	_ = 	snop  }
0x5: {  	_ = 	snop  }
0x6: {  	_ = 	snop  }
0x7: {  	_ = 	snop  }
__scs_overlays_trampoline_lowered:
0x8: {  	[smem:$0x3FAE] =	sst s0  }
0x9: {  	[smem:$0x3FAF] =	sst s1  }
0xa: {  	[smem:$0x3FB0] =	sst s2  }
0xb: {  	[smem:$0x3FB1] =	sst s3  }
0xc: {  	[smem:$0x3FB2] =	sst s4  }
0xd: {  	[smem:$0x3FB3] =	sst s5  }
0xe: {  	[smem:$0x3FB4] =	sst s6  }
0xf: {  	[smem:$0x3FB5] =	sst s7  }
0x10: {  	[smem:$0x3FB6] =	sst s8  }
0x11: {  	[smem:$0x3FB7] =	sst s9;
	s0 =	simm.s32 @!p0 $0x0  }
0x12: {  	s1 =	sld [smem:$0x3F9D];
	s0 =	simm.s32 @p0 $0x1  }
0x13: {  	[smem:$0x3FB8] =	sst s0;
	s0 =	simm.s32 @!p1 $0x0  }
0x14: {  	s2 =	sld [smem:$0x3F9C];
	s0 =	simm.s32 @p1 $0x1  }
0x15: {  	[smem:$0x3FB9] =	sst s0;
	s0 =	simm.s32 @!p2 $0x0  }
0x16: {  	s3 =	sld [smem:$0x3FDB];
	s0 =	simm.s32 @p2 $0x1  }
0x17: {  	s4 =	simm.s32 $0x1BF5;
	[smem:$0x3FBB] =	sst s0  }
0x18: {  	s0 =	sld [smem:$0x3F9E];
	_ =	swait.ge [sflag:s4], $0x0  }
0x19: {  	s7 =	sld [smem:$0x3F9F]  }
0x1a: {  	s8 =	sadd.s32 $0xFFFFE003, lr  }
0x1b: {  	s9 =	sadd.s32 $0xFFFFFEF7, lr;
	s5 =	simm.s32 $0xFFFFFFFF;
	p2 =	slt.u32 s8, $0xFFFFF086  }
0x1c: {  	p1 =	slt.u32 s9, $0xF7A;
	s5 =	simm.s32 @!p2 $0x0  }
0x1d: {  	s5 =	simm.s32 @p1 $0x1;
	p0 =	seq.s32 s7, s2  }
0x1e: {  	s7 =	smul.u32 @!p0 $0xF7A, s2;
	p2 =	seq.s32 @!p0 s5, $0x0  }
0x1f: {  	s9 =	smul.u32 $0xF7A, s1;
	s8 =	simm.s32 @!p0 $0x1BF5;
	p2 =	por !p2, p0  }
0x20: {  	[sflag:s8] =	ssyncset.s32 @!p0 $0xFFFFF086;
	s6 =	sadd.s32 @!p0 s3, s7;
	s7 =	simm.s32 @!p0 $0x108  }
0x21: {  	s3 =	sadd.s32 s3, s9;
	s6 =	sadd.s32 @!p0 $0x88, s6;
	s7 =	simm.s32 @p2 $0x1082  }
0x22: {  	[simem:s7], [sflag:s8] =	dma.local @!p0 [hbm:s6], $0xF7A  }
0x23: {  	s9 =	sor.u32 $0xD0000000, s2;
	s6 =	simm.s32 $0x108;
	_ =	swait.ge @!p0 [sflag:s8], $0x0  }
0x24: {  	s3 =	sadd.s32 $0x88, s3;
	s6 =	simm.s32 @!p1 $0x1082;
	[sflag:s4] =	ssyncset.s32 $0xFFFFF086  }
0x25: {  	[simem:s6], [sflag:s4] =	dma.local [hbm:s3], $0xF7A  }
0x26: {  	[smem:$0x3F9F] =	sst s1;
	(tag) =	ssettag s2;
	_ =	strace s9  }
0x27: {  	s1 =	sld [smem:$0x3FAF]  }
0x28: {  	s2 =	sld [smem:$0x3FB0]  }
0x29: {  	s4 =	sld [smem:$0x3FB2]  }
0x2a: {  	p0 =	seq.s32 s5, $0x0;
	s5 =	sld [smem:$0x3FB3]  }
0x2b: {  	s6 =	sld [smem:$0x3FB4]  }
0x2c: {  	s7 =	sld [smem:$0x3FB5]  }
0x2d: {  	s3 =	simm.s32 $0x108;
	s8 =	sld [smem:$0x3FB6]  }
0x2e: {  	s3 =	simm.s32 @!p0 $0x1082;
	s9 =	sld [smem:$0x3FB7]  }
0x2f: {  	lr =	sadd.s32 s0, s3;
	s0 =	sld [smem:$0x3FAE]  }
0x30: {  	s3 =	sld [smem:$0x3FB1]  }
0x31: {  	[smem:$0x3FBA] =	sst s10  }
0x32: {  	s10 =	sld [smem:$0x3FB8];
	_ =	sdelay $0x3  }
0x33: {  	p0 =	seq.s32 s10, $0x1;
	s10 =	sld [smem:$0x3FBA];
	_ =	sdelay $0x3  }
0x34: {  	[smem:$0x3FBA] =	sst s10  }
0x35: {  	s10 =	sld [smem:$0x3FB9];
	_ =	sdelay $0x3  }
0x36: {  	p1 =	seq.s32 s10, $0x1;
	s10 =	sld [smem:$0x3FBA];
	_ =	sdelay $0x3  }
0x37: {  	[smem:$0x3FBA] =	sst s10  }
0x38: {  	s10 =	sld [smem:$0x3FBB]  }
0x39: {  	_ = 	snop;
	(pc) =	sbr.ind lr, $3  }
0x3a: {  	_ = 	snop  }
0x3b: {  	_ = 	snop  }
0x3c: {  	p2 =	seq.s32 s10, $0x1;
	s10 =	sld [smem:$0x3FBA]  }
0x3d: {  	_ =	shalt  }
0x3e: {  	_ =	shalt  }
0x3f: {  	_ =	shalt  }
0x40: {  	_ =	shalt  }
0x41: {  	_ =	shalt  }
0x42: {  	_ =	shalt  }
0x43: {  	_ =	shalt  }
0x44: {  	_ =	shalt  }
0x45: {  	_ =	shalt  }
0x46: {  	_ =	shalt  }
0x47: {  	_ =	shalt  }
0x48: {  	_ =	shalt  }
0x49: {  	_ =	shalt  }
0x4a: {  	_ =	shalt  }
0x4b: {  	_ =	shalt  }
0x4c: {  	_ =	shalt  }
0x4d: {  	_ =	shalt  }
0x4e: {  	_ =	shalt  }
0x4f: {  	_ =	shalt  }
0x50: {  	_ =	shalt  }
0x51: {  	_ =	shalt  }
0x52: {  	_ =	shalt  }
0x53: {  	_ =	shalt  }
0x54: {  	_ =	shalt  }
0x55: {  	_ =	shalt  }
0x56: {  	_ =	shalt  }
0x57: {  	_ =	shalt  }
0x58: {  	_ =	shalt  }
0x59: {  	_ =	shalt  }
0x5a: {  	_ =	shalt  }
0x5b: {  	_ =	shalt  }
0x5c: {  	_ =	shalt  }
0x5d: {  	_ =	shalt  }
0x5e: {  	_ =	shalt  }
0x5f: {  	_ =	shalt  }
0x60: {  	_ =	shalt  }
0x61: {  	_ =	shalt  }
0x62: {  	_ =	shalt  }
0x63: {  	_ =	shalt  }
0x64: {  	_ =	shalt  }
0x65: {  	_ =	shalt  }
0x66: {  	_ =	shalt  }
0x67: {  	_ =	shalt  }
0x68: {  	_ =	shalt  }
0x69: {  	_ =	shalt  }
0x6a: {  	_ =	shalt  }
0x6b: {  	_ =	shalt  }
0x6c: {  	_ =	shalt  }
0x6d: {  	_ =	shalt  }
0x6e: {  	_ =	shalt  }
0x6f: {  	_ =	shalt  }
0x70: {  	_ =	shalt  }
0x71: {  	_ =	shalt  }
0x72: {  	_ =	shalt  }
0x73: {  	_ =	shalt  }
0x74: {  	_ =	shalt  }
0x75: {  	_ =	shalt  }
0x76: {  	_ =	shalt  }
0x77: {  	_ =	shalt  }
0x78: {  	_ =	shalt  }
0x79: {  	_ =	shalt  }
0x7a: {  	_ =	shalt  }
0x7b: {  	_ =	shalt  }
0x7c: {  	_ =	shalt  }
0x7d: {  	_ =	shalt  }
0x7e: {  	_ =	shalt  }
0x7f: {  	_ =	shalt  }
0x80: {  	_ =	shalt  }
0x81: {  	_ =	shalt  }
0x82: {  	_ =	shalt  }
0x83: {  	_ =	shalt  }
0x84: {  	_ =	shalt  }
0x85: {  	_ =	shalt  }
0x86: {  	_ =	shalt  }
0x87: {  	_ =	shalt  }
.Lfunc_end0:
.L_simem_size_0:
called_computation_lowered:
.L_overlay_start_0:
0x88: {  	s2 =	sld [smem:$0x3FD9]  }
0x89: {  	s3 =	sld [smem:$0x3FFE];
	_ =	sdelay $0x1  }
0x8a: {  	s1 =	srdreg.scid  }
0x8b: {  	s0 =	sand.u32 $0x1, s1  }
0x8c: {  	s18 =	sshll.u32 s0, $0xA;
	s2 =	sadd.s32 s3, s2  }
0x8d: {  	s2 =	sadd.s32 s2, s18  }
0x8e: {  	[smem:$0x3FC6] =	sst s2  }
0x8f: {  	_ = 	snop  }
0x90: {  	s2 =	sld [smem:$0x3FC9]  }
0x91: {  	s19 =	sld [smem:$0x3FC8]  }
0x92: {  	s4 =	sld [smem:$0x3FD0];
	(tm) =	ssettm $0x1  }
0x93: {  	s5 =	sld [smem:$0x3FFB];
	_ =	sdelay $0x3  }
0x94: {  	_ =	strace s5  }
0x95: {  	s5 =	sld [smem:$0x3FFC];
	_ =	sdelay $0x3  }
0x96: {  	_ =	strace s5  }
0x97: {  	s5 =	sld [smem:$0x3FFD];
	_ =	sdelay $0x3  }
0x98: {  	_ =	strace s5  }
0x99: {  	_ =	strace $0x8FFFFFFF  }
0x9a: {  	s20 =	sld [smem:$0x3FDB];
	_ =	sdelay $0x1  }
0x9b: {  	s6 =	simm.s32 $_scs_section_size  }
0x9c: {  	s7 =	simm.s32 $_size__tile_overlayer_lowered;
	s8 =	simm.s32 $_tile_overlayer_lowered  }
0x9d: {  	s23 =	simm.s32 $0x1BFF;
	s22 =	sshll.u32 s8, $0x1;
	s5 =	sadd.s32 s6, s20  }
0x9e: {  	s9 =	simm.s32 $0x0;
	s21 =	sshll.u32 s7, $0x1;
	s7 =	sadd.s32 s22, s5  }
0x9f: {  	[timem:s9], [sflag:s23] =	dma.local [hbm:s7], s21  }
0xa0: {  	_ =	swait.ge [sflag:s23], s21  }
0xa1: {  	s6 =	ssub.s32 $0x0, s21;
	[sflag:s23] =	ssyncset.done $0x0  }
0xa2: {  	[sflag:s23] =	ssyncadd.s32 s6;
	_ =	sdelay $0x1  }
0xa3: {  	s24 =	simm.s32 $0x1B8B  }
0xa4: {  	_ =	swait.ge [sflag:s24], $0x1  }
0xa5: {  	[sflag:s24] =	ssyncset.done $0x0  }
0xa6: {  	s25 =	simm.s32 $0x1B8E;
	[sflag:s24] =	ssyncadd.s32 $0xFFFFFFFF  }
0xa7: {  	s26 =	simm.s32 $execute0_lowered;
	[smem:$0x3FD2] =	sst s25  }
0xa8: {  	s6 =	sshll.u32 s26, $0x1;
	_ =	strace $0x80000046;
	[dreg:$0x1] =	wrdreg $0xFFFFFFFF  }
0xa9: {  	s28 =	simm.s32 $_size_execute0_lowered;
	s5 =	sadd.s32 s5, s6;
	[dreg:$0x0] =	wrdreg $0x0  }
0xaa: {  	s6 =	sshll.u32 s28, $0x1;
	[dreg:$0x2] =	wrdreg s5  }
0xab: {  	[dreg:$0x3] =	wrdreg s6  }
0xac: {  	[dreg:$0x4] =	wrdreg $0xC0  }
0xad: {  	_ =	task [dreg:s9], $0x5FFFF  }
0xae: {  	[dreg:$0x1] =	wrdreg $0xFFFFFFFF  }
0xaf: {  	[dreg:$0x0] =	wrdreg $0x60  }
0xb0: {  	[dreg:$0x2] =	wrdreg s2  }
0xb1: {  	[dreg:$0x3] =	wrdreg s19  }
0xb2: {  	[dreg:$0x4] =	wrdreg s4  }
0xb3: {  	[dreg:$0x5] =	wrdreg $0x9  }
0xb4: {  	_ =	task.clear_ibuf [dreg:s9], $0x6FFFF;
	_ =	strace $0x90000046  }
0xb5: {  	s29 =	simm.s32 $0x9;
	_ =	strace $0x80000048  }
0xb6: {  	_ =	swait.ge [sflag:s29], $0x1  }
0xb7: {  	[sflag:s29] =	ssyncadd.s32 $0xFFFFFFFF  }
0xb8: {  	_ =	strace $0x90000048  }
0xb9: {  	_ =	sfence  }
0xba: {  	s30 =	sld [smem:$0x0];
	_ =	sdelay $0x2  }
0xbb: {  	s31 =	sshll.u32 s1, $0xD;
	s1 =	sshrl.u32 s1, $0x2  }
0xbc: {  	s3 =	sand.u32 $0x4000, s31;
	s1 =	sadd.s32 s1, s30  }
0xbd: {  	s0 =	sor.u32 s3, s0;
	s1 =	sshll.u32 s1, $0x11  }
0xbe: {  	s0 =	sor.u32 s1, s0  }
0xbf: {  	s0 =	sadd.s32 $0x8F2B, s0  }
0xc0: {  	[sflag:s0] =	ssyncadd.remote.s32 $0x1  }
0xc1: {  	_ =	sfence.sel $0xFFFF  }
0xc2: {  	[dreg:$0x0] =	wrdreg $0xFFFFFFFF;
	(pc) =	sbr.abs _section_cstart, $3  }
0xc3: {  	[dreg:$0x1] =	wrdreg $0xFFFFFFFF  }
0xc4: {  	_ =	task.clear_ibuf [dreg:s9], $0x2FFFF;
	_ =	strace $0x9FFFFFFF  }
0xc5: {  	(tm) =	ssettm $0x7FFFFFFF  }
tec
execute0_lowered:
.L_overlay_start_1:
0x0: {  	(tag) =	ssettag $0x1  }
0x1: {  	s8 =	rddreg [dreg:$0x0]  }
0x2: {  	s0 =	srdreg.scid;
	s2 =	rddreg [dreg:$0x1]  }
0x3: {  	s4 =	stileid.u32;
	s9 =	rddreg [dreg:$0x2];
	s5 =	simm.s32 $0x0  }
0x4: {  	s3 =	simm.s32 $0x1;
	s7 =	simm.s32 $0xFFFFFFFF;
	s0 =	sand.u32 $0x1, s0  }
0x5: {  	s1 =	sshll.u32 s4, $0x1;
	[smem:$0x7FF] =	sst s5;
	s19 =	sadd.s32 $0x40, s8  }
0x6: {  	s23 =	sadd.s32 $0x40, s9;
	s1 =	sor.u32 s0, s1;
	p1 =	seq.s32 s0, $0x1  }
0x7: {  	_ =	strace $0x80000047;
	s16 =	ssub.s32 $0x2, s0;
	[dreg:$0x6] =	wrdreg s19  }
0x8: {  	p0 =	seq.s32 s1, $0x0;
	s14 =	sshll.u32 s1, $0xA;
	s1 =	sshll.u32 s1, $0x12  }
0x9: {  	[dreg:$0xb] =	wrdreg s23;
	s18 =	sadd.s32 s8, s1;
	s1 =	sadd.s32 s1, s19  }
0xa: {  	s0 =	sshll.u32 s0, $0xC;
	s6 =	sshrl.u32 s16, $0x1;
	[dreg:$0x7] =	wrdreg s1  }
0xb: {  	p0 =	por !p0, !p1;
	s22 =	sor.u32 $0x10, s14;
	[dreg:$0x5] =	wrdreg s18  }
0xc: {  	s25 =	sor.u32 $0x18, s14;
	p0 =	por !p0, !p0;
	[dreg:$0xa] =	wrdreg s22  }
0xd: {  	s21 =	sadd.s32 $0x800, s18;
	[dreg:$0xc] =	wrdreg s25;
	s3 =	simm.s32 @!p0 $0x0  }
0xe: {  	s7 =	simm.s32 @!p0 $0x0;
	[dreg:$0x8] =	wrdreg s21;
	s3 =	ssub.s32 s4, s3  }
0xf: {  	s4 =	ssub.s32 s16, s6;
	s20 =	sshll.u32 s7, $0xD;
	s17 =	sshll.u32 s3, $0xC  }
0x10: {  	s3 =	sshll.u32 s3, $0x7;
	s0 =	ssub.s32 s20, s0;
	s26 =	smax.u32 s4, $0x1  }
0x11: {  	s5 =	sand.u32 $0xFFFF8000, s17;
	s3 =	sand.u32 $0x380, s3;
	s24 =	sadd.s32 $0x20C0, s0  }
0x12: {  	[dreg:$0xd] =	wrdreg s26;
	s28 =	sadd.s32 $0x20B0, s0;
	s29 =	sadd.s32 $0x20A0, s0  }
0x13: {  	s0 =	sadd.s32 $0x2090, s0;
	s3 =	sor.u32 s3, s5;
	s1 =	sshra.s32 s24, $0x2  }
0x14: {  	s30 =	sshra.s32 s29, $0x2;
	s0 =	sshra.s32 s0, $0x2;
	[dreg:$0xe] =	wrdreg s1  }
.Ltmp0:
0x15: {  	s3 =	sshrl.u32 s3, $0x3;
	[dreg:$0x10] =	wrdreg s30;
	(pc) =	sbr.rel .LBB2_1-.Ltmp0, $4  }
0x16: {  	s1 =	sshra.s32 s28, $0x2;
	[dreg:$0x11] =	wrdreg s0;
	s2 =	sadd.s32 s3, s2  }
0x17: {  	[dreg:$0xf] =	wrdreg s1;
	s2 =	sadd.s32 $0x800, s2  }
0x18: {  	s31 =	simm.s32 $0x200;
	[dreg:$0x4] =	wrdreg s2;
	s2 =	sadd.s32 $0x840, s18  }
0x19: {  	s22 =	simm.s32 $0x400;
	[dreg:$0x9] =	wrdreg s2;
	s2 =	simm.s32 $0x0  }
.LBB2_16:
0x1a: {  	s0 =	simm.s32 $0x5  }
0x1b: {  	_ =	swait.ge [sflag:s0], $0x2000  }
0x1c: {  	[sflag:s0] =	ssyncset.done $0x0  }
0x1d: {  	s28 =	simm.s32 $0x6;
	[sflag:s0] =	ssyncadd.s32 $0xFFFFE000  }
0x1e: {  	_ =	swait.ge [sflag:s28], $0x2000  }
0x1f: {  	[sflag:s28] =	ssyncset.done $0x0  }
0x20: {  	s29 =	simm.s32 $0x7;
	[sflag:s28] =	ssyncadd.s32 $0xFFFFE000  }
0x21: {  	_ =	swait.ge [sflag:s29], $0x2000  }
0x22: {  	[sflag:s29] =	ssyncset.done $0x0  }
0x23: {  	s1 =	simm.s32 $0x8;
	[sflag:s29] =	ssyncadd.s32 $0xFFFFE000  }
0x24: {  	_ =	swait.ge [sflag:s1], $0x2000  }
0x25: {  	s2 =	rddreg [dreg:$0x12]  }
0x26: {  	s30 =	rddreg [dreg:$0xd];
	s2 =	sadd.s32 $0x1, s2  }
0x27: {  	p0 =	sne.s32 s2, s30  }
.Ltmp1:
0x28: {  	_ = 	snop;
	(pc) =	sbr.rel @!p0 .LBB2_17-.Ltmp1, $3  }
0x29: {  	_ =	sdelay $0x1  }
0x2a: {  	[sflag:s1] =	ssyncset.done $0x0  }
0x2b: {  	s14 =	smov.u32 s25;
	[sflag:s1] =	ssyncadd.s32 $0xFFFFE000  }
.LBB2_1:
0x2c: {  	[dreg:$0x12] =	wrdreg s2;
	s0 =	simm.s32 $0x0  }
0x2d: {  	s1 =	rddreg [dreg:$0x4];
	s19 =	simm.s32 $0x80;
	s20 =	simm.s32 $0x9  }
0x2e: {  	[tilespmem:s0], [sflag:$0x9] =	stream.strided.gather [hbm4b:s1+s19], $0x800, s22, s19, $0x38;
	[tilespmem:$0x11000] =	vst v63  }
0x2f: {  	_ =	swait.ge [sflag:s20], $0x800  }
0x30: {  	[sflag:s20] =	ssyncset.done $0x0  }
0x31: {  	s3 =	simm.s32 $0x800;
	[sflag:s20] =	ssyncadd.s32 $0xFFFFF800  }
0x32: {  	[tilespmem:s3], [sflag:$0x9] =	stream.strided.gather [hbm4b:s1+s19], $0x800, s22, s19, $0x38;
	[tilespmem:$0x11000] =	vst v63  }
0x33: {  	_ =	swait.ge [sflag:s20], $0x800  }
0x34: {  	s21 =	rddreg [dreg:$0x5]  }
0x35: {  	s24 =	rddreg [dreg:$0x7]  }
0x36: {  	s26 =	rddreg [dreg:$0x8]  }
0x37: {  	[sflag:s20] =	ssyncset.done $0x0;
	s29 =	rddreg [dreg:$0x9]  }
0x38: {  	s23 =	simm.s32 $0x1000;
	s19 =	rddreg [dreg:$0x10];
	[sflag:s20] =	ssyncadd.s32 $0xFFFFF800  }
0x39: {  	[tilespmem:s23], [sflag:$0x1] =	stream.strided.gather [hbm4b:s21+s31], $0x2000, s22, s31, $0x38;
	[tilespmem:$0x11000] =	vst v63  }
0x3a: {  	s25 =	simm.s32 $0x3000;
	s18 =	rddreg [dreg:$0xf]  }
0x3b: {  	[tilespmem:s25], [sflag:$0x2] =	stream.strided.gather [hbm4b:s24+s31], $0x2000, s22, s31, $0x38;
	[tilespmem:$0x11000] =	vst v63  }
0x3c: {  	s28 =	simm.s32 $0x5000;
	s17 =	rddreg [dreg:$0xe]  }
0x3d: {  	[tilespmem:s28], [sflag:$0x3] =	stream.strided.gather [hbm4b:s26+s31], $0x2000, s22, s31, $0x38;
	[tilespmem:$0x11000] =	vst v63  }
0x3e: {  	s30 =	simm.s32 $0x7000;
	s8 =	simm.s32 $0x0;
	s20 =	rddreg [dreg:$0x11]  }
0x3f: {  	[tilespmem:s30], [sflag:$0x4] =	stream.strided.gather [hbm4b:s29+s31], $0x2000, s22, s31, $0x38;
	[tilespmem:$0x11000] =	vst v63  }
.LBB2_2:
0x40: {  	s0 =	simm.s32 $0x1  }
0x41: {  	_ =	swait.ge [sflag:s0], $0x2000  }
0x42: {  	p0 =	seq.s32 s8, $0x0;
	v0 =	vmov s17;
	[sflag:s0] =	ssyncset.done $0x0  }
0x43: {  	[sflag:s0] =	ssyncadd.s32 $0xFFFFE000;
	s0 =	simm.s32 @!p0 $0x5  }
0x44: {  	s24 =	simm.s32 $0x0;
	_ =	swait.ge @!p0 [sflag:s0], $0x2000  }
0x45: {  	s2 =	simm.s32 $0x30;
	s1 =	simm.s32 $0x0;
	[sflag:s0] =	ssyncset.done @!p0 $0x0  }
0x46: {  	s3 =	sand.u32 $0x1E00, s24;
	s2 =	sand.u32 $0x70, s2;
	[sflag:s0] =	ssyncadd.s32 @!p0 $0xFFFFE000  }
0x47: {  	s4 =	simm.s32 $0x10;
	s2 =	sor.u32 s3, s2;
	v1 =	vld.idx.msk [tilespmem:v0+s1+$0x0 ss:$0x1], $0xffff  }
0x48: {  	s4 =	sand.u32 $0x50, s4;
	v2 =	vld [tilespmem:s2+$0x1000]  }
0x49: {  	s5 =	simm.s32 $0x20;
	s4 =	sor.u32 s3, s4;
	v3 =	vld.idx.msk [tilespmem:v0+s1+$0xFFFFFFE0 ss:$0x1], $0xffff  }
0x4a: {  	s5 =	sand.u32 $0x60, s5;
	v4 =	vld [tilespmem:s4+$0x1000]  }
0x4b: {  	s7 =	sand.u32 $0x40, s24;
	s5 =	sor.u32 s3, s5;
	v5 =	vld.idx.msk [tilespmem:v0+s1+$0xFFFFFFD0 ss:$0x1], $0xffff  }
0x4c: {  	s3 =	sor.u32 s7, s3;
	v6 =	vld [tilespmem:s5+$0x1000]  }
0x4d: {  	v1 =	vmul.f32 v2, v1;
	v2 =	vld [tilespmem:s3+$0x1000]  }
0x4e: {  	v7 =	vld.idx.msk [tilespmem:v0+s1+$0xFFFFFFF0 ss:$0x1], $0xffff  }
0x4f: {  	[tilespmem:s2+$0x9000] =	vst v1;
	v1 =	vmul.f32 v4, v3;
	v4 =	vld [tilespmem:s2+$0x1080]  }
0x50: {  	v3 =	vld.idx.msk [tilespmem:v0+s1+$0xFFFFFFFF ss:$0x1], $0xffff  }
0x51: {  	v8 =	vld [tilespmem:s4+$0x1080];
	[tilespmem:s4+$0x9000] =	vst v1  }
0x52: {  	v1 =	vmul.f32 v2, v5;
	v2 =	vld.idx.msk [tilespmem:v0+s1+$0xFFFFFFDF ss:$0x1], $0xffff  }
0x53: {  	s25 =	sand.u32 $0x7, s24  }
0x54: {  	p1 =	por $0x0, $0x0;
	s10 =	simm.s32 $0x1;
	s7 =	sshll.u32 s25, $0x4;
	v5 =	vmul.f32 v6, v7;
	[tilespmem:s3+$0x9000] =	vst v1;
	v1 =	vld [tilespmem:s3+$0x1080]  }
0x55: {  	s10 =	simm.s32 @!p1 $0x0;
	s7 =	sadd.s32 $0x0, s7;
	v6 =	vld.idx.msk [tilespmem:v0+s1+$0xFFFFFFCF ss:$0x1], $0xffff;
	v3 =	vmul.f32 v4, v3  }
0x56: {  	s29 =	sshll.u32 s10, $0x6;
	s26 =	sadd.s32 $0x30, s7;
	s0 =	sand.u32 $0x3, s24;
	[tilespmem:s5+$0x9000] =	vst v5;
	v4 =	vld [tilespmem:s5+$0x1080]  }
0x57: {  	s7 =	sadd.s32 $0x10, s7;
	s9 =	sor.u32 $0x100, s26;
	s6 =	sshll.u32 s0, $0x5;
	v5 =	vld.idx.msk [tilespmem:v0+s1+$0xFFFFFFEF ss:$0x1], $0xffff;
	v2 =	vmul.f32 v8, v2;
	[tilespmem:s2+$0x9080] =	vst v3  }
0x58: {  	s11 =	sor.u32 $0x100, s7;
	s10 =	sor.u32 $0x180, s26;
	s12 =	sadd.s32 $0x0, s6;
	v3 =	vld.idx.msk [tilespmem:v0+s1+$0xFFFFFFFE ss:$0x1], $0xffff  }
0x59: {  	s24 =	simm.s32 $0x70;
	[tilespmem:s4+$0x9080] =	vst v2;
	v2 =	vld [tilespmem:s9+$0x1000];
	s4 =	sadd.s32 $0x20, s12;
	s12 =	simm.s32 $0x100  }
0x5a: {  	s26 =	simm.s32 $0x50;
	s2 =	sand.u32 $0x70, s24;
	v1 =	vmul.f32 v1, v6;
	v6 =	vld.idx.msk [tilespmem:v0+s1+$0xFFFFFFDE ss:$0x1], $0xffff;
	s25 =	sand.u32 $0x1E00, s12  }
0x5b: {  	s21 =	sand.u32 $0x50, s26;
	v7 =	vld [tilespmem:s11+$0x1000];
	s16 =	sor.u32 s25, s2  }
0x5c: {  	s21 =	sor.u32 s25, s21;
	v11 =	vld [tilespmem:s16+$0x1000]  }
0x5d: {  	v13 =	vld [tilespmem:s21+$0x1000]  }
0x5e: {  	v56 =	vld [tilespmem:s21+$0x1080]  }
0x5f: {  	s0 =	sadd.s32 $0x0, s29;
	s29 =	simm.s32 $0x60;
	[tilespmem:s3+$0x9080] =	vst v1;
	v58 =	vld [tilespmem:s16+$0x1080]  }
0x60: {  	s13 =	sor.u32 $0x100, s0;
	s2 =	sand.u32 $0x60, s29;
	v1 =	vmul.f32 v4, v5;
	v4 =	vld.idx.msk [tilespmem:v0+s1+$0xFFFFFFCE ss:$0x1], $0xffff  }
0x61: {  	s2 =	sor.u32 s25, s2;
	v5 =	vld [tilespmem:s13+$0x1000]  }
0x62: {  	v14 =	vld [tilespmem:s2+$0x1000]  }
0x63: {  	v57 =	vld [tilespmem:s2+$0x1080];
	[tilespmem:s5+$0x9080] =	vst v1;
	v1 =	vmul.f32 v2, v3  }
0x64: {  	s15 =	sor.u32 $0x100, s4;
	v2 =	vld.idx.msk [tilespmem:v0+s1+$0xFFFFFFEE ss:$0x1], $0xffff;
	v6 =	vmul.f32 v7, v6  }
0x65: {  	v3 =	vld [tilespmem:s15+$0x1000];
	[tilespmem:s9+$0x9000] =	vst v1  }
0x66: {  	v7 =	vld.idx.msk [tilespmem:v0+s1+$0xFFFFFFFD ss:$0x1], $0xffff;
	[tilespmem:s11+$0x9000] =	vst v6;
	s11 =	simm.s32 $0x40  }
0x67: {  	s3 =	sor.u32 $0x180, s7;
	s7 =	simm.s32 $0x40;
	v10 =	vld.idx.msk [tilespmem:v0+s11+$0x0 ss:$0x1], $0xffff  }
0x68: {  	s23 =	sand.u32 $0x40, s7;
	v6 =	vld [tilespmem:s10+$0x1000]  }
0x69: {  	s9 =	sor.u32 s23, s25;
	v12 =	vld.idx.msk [tilespmem:v0+s11+$0xFFFFFFE0 ss:$0x1], $0xffff  }
0x6a: {  	v15 =	vld [tilespmem:s9+$0x1000]  }
0x6b: {  	v1 =	vld.idx.msk [tilespmem:v0+s11+$0xFFFFFFD0 ss:$0x1], $0xffff  }
0x6c: {  	v59 =	vld [tilespmem:s9+$0x1080];
	v10 =	vmul.f32 v11, v10  }
0x6d: {  	v16 =	vld.idx.msk [tilespmem:v0+s11+$0xFFFFFFF0 ss:$0x1], $0xffff  }
0x6e: {  	v8 =	vld.idx.msk [tilespmem:v0+s1+$0xFFFFFFDD ss:$0x1], $0xffff;
	v12 =	vmul.f32 v13, v12;
	[tilespmem:s16+$0x9000] =	vst v10  }
0x6f: {  	v2 =	vmul.f32 v3, v2;
	v10 =	vld.idx.msk [tilespmem:v0+s11+$0xFFFFFFFF ss:$0x1], $0xffff  }
0x70: {  	v9 =	vld [tilespmem:s3+$0x1000];
	v1 =	vmul.f32 v15, v1;
	[tilespmem:s21+$0x9000] =	vst v12  }
0x71: {  	[tilespmem:s15+$0x9000] =	vst v2;
	v3 =	vld.idx.msk [tilespmem:v0+s11+$0xFFFFFFDF ss:$0x1], $0xffff  }
0x72: {  	s23 =	simm.s32 $0x4;
	v4 =	vmul.f32 v5, v4;
	v5 =	vld.idx.msk [tilespmem:v0+s1+$0xFFFFFFED ss:$0x1], $0xffff;
	[tilespmem:s9+$0x9000] =	vst v1;
	v1 =	vmul.f32 v14, v16  }
0x73: {  	s4 =	sor.u32 $0x180, s4;
	s6 =	sand.u32 $0x7, s23;
	v2 =	vld.idx.msk [tilespmem:v0+s11+$0xFFFFFFCF ss:$0x1], $0xffff  }
0x74: {  	s5 =	sshll.u32 s6, $0x4;
	v60 =	vld [tilespmem:s4+$0x1000];
	[tilespmem:s2+$0x9000] =	vst v1;
	v10 =	vmul.f32 v58, v10  }
0x75: {  	[tilespmem:s13+$0x9000] =	vst v4;
	s15 =	sadd.s32 $0x100, s5;
	v4 =	vld.idx.msk [tilespmem:v0+s11+$0xFFFFFFEF ss:$0x1], $0xffff  }
0x76: {  	s5 =	sadd.s32 $0x30, s15;
	v1 =	vld.idx.msk [tilespmem:v0+s1+$0xFFFFFFCD ss:$0x1], $0xffff;
	v3 =	vmul.f32 v56, v3;
	[tilespmem:s16+$0x9080] =	vst v10  }
0x77: {  	p1 =	por !p1, !p1;
	s29 =	sor.u32 $0x100, s5;
	s1 =	simm.s32 $0x1;
	v61 =	vld.idx.msk [tilespmem:v0+s11+$0xFFFFFFFE ss:$0x1], $0xffff  }
0x78: {  	s15 =	sadd.s32 $0x10, s15;
	s1 =	simm.s32 @!p1 $0x0;
	v2 =	vmul.f32 v59, v2;
	[tilespmem:s21+$0x9080] =	vst v3;
	v62 =	vld [tilespmem:s29+$0x1000]  }
0x79: {  	s26 =	simm.s32 $0x2;
	s13 =	sor.u32 $0x100, s15;
	v5 =	vmul.f32 v60, v5;
	s1 =	sshll.u32 s1, $0x6;
	v3 =	vmul.f32 v6, v7;
	v7 =	vld.idx.msk [tilespmem:v0+s11+$0xFFFFFFDE ss:$0x1], $0xffff  }
0x7a: {  	s30 =	sadd.s32 $0x100, s1;
	s21 =	sand.u32 $0x3, s26;
	[tilespmem:s9+$0x9080] =	vst v2;
	v4 =	vmul.f32 v57, v4;
	v63 =	vld [tilespmem:s13+$0x1000]  }
0x7b: {  	[tilespmem:s4+$0x9000] =	vst v5;
	s24 =	sshll.u32 s21, $0x5;
	s21 =	sor.u32 $0x100, s30;
	v2 =	vld.idx.msk [tilespmem:v0+s11+$0xFFFFFFCE ss:$0x1], $0xffff  }
0x7c: {  	s28 =	simm.s32 $0x4;
	v6 =	vmul.f32 v9, v8;
	s25 =	sadd.s32 $0x100, s24;
	[tilespmem:s2+$0x9080] =	vst v4;
	v4 =	vld [tilespmem:s21+$0x1000]  }
0x7d: {  	p1 =	por !p1, !p1;
	[tilespmem:s10+$0x9000] =	vst v3;
	s24 =	sor.u32 $0x180, s0;
	s9 =	sadd.s32 $0x20, s25;
	v3 =	vld.idx.msk [tilespmem:v0+s11+$0xFFFFFFEE ss:$0x1], $0xffff;
	v8 =	vmul.f32 v62, v61  }
0x7e: {  	s30 =	sor.u32 $0x180, s30;
	s10 =	sshll.u32 s8, $0x4;
	[tilespmem:s3+$0x9000] =	vst v6;
	v5 =	vld [tilespmem:s24+$0x1000];
	s1 =	sor.u32 $0x100, s9  }
0x7f: {  	s3 =	sor.u32 $0x180, s15;
	s16 =	sadd.s32 s14, s10;
	s31 =	sor.u32 $0x180, s9;
	v6 =	vld [tilespmem:s1+$0x1000];
	v7 =	vmul.f32 v63, v7;
	[tilespmem:s29+$0x9000] =	vst v8  }
.LBB2_3:
0x80: {  	s0 =	simm.s32 $0x1  }
0x81: {  	v8 =	vld.idx.msk [tilespmem:v0+s11+$0xFFFFFFFD ss:$0x1], $0xffff;
	s15 =	sor.u32 $0x180, s5;
	s26 =	sadd.s32 $0x2, s26;
	s0 =	simm.s32 @!p1 $0x0  }
0x82: {  	s2 =	sand.u32 $0x3, s26;
	v2 =	vmul.f32 v4, v2;
	s29 =	sshll.u32 s0, $0x6;
	[tilespmem:s13+$0x9000] =	vst v7;
	v4 =	vld [tilespmem:s15+$0x1000]  }
0x83: {  	s12 =	sadd.s32 $0x100, s12;
	s7 =	sadd.s32 $0x40, s7;
	s13 =	sshll.u32 s2, $0x5;
	v7 =	vld.idx.msk [tilespmem:v0+s11+$0xFFFFFFDD ss:$0x1], $0xffff  }
0x84: {  	s28 =	sadd.s32 $0x4, s28;
	s0 =	sshra.s32 s12, $0x2;
	s2 =	sadd.s32 $0x30, s7;
	v3 =	vmul.f32 v6, v3;
	[tilespmem:s21+$0x9000] =	vst v2;
	v2 =	vld [tilespmem:s3+$0x1000]  }
0x85: {  	p2 =	slt.u32 s28, $0x7C;
	s2 =	sand.u32 $0x70, s2;
	s21 =	sand.u32 $0x1E00, s12;
	v1 =	vmul.f32 v5, v1;
	v6 =	vld.idx.msk [tilespmem:v0+s0+$0xFFFFFFD0 ss:$0x1], $0xffff  }
0x86: {  	s4 =	sadd.s32 $0x10, s7;
	s9 =	sadd.s32 $0x20, s7;
	s5 =	sor.u32 s21, s2;
	v5 =	vld.idx.msk [tilespmem:v0+s0+$0x0 ss:$0x1], $0xffff;
	[tilespmem:s1+$0x9000] =	vst v3  }
0x87: {  	s6 =	sand.u32 $0x60, s9;
	s2 =	sand.u32 $0x50, s4;
	s1 =	sand.u32 $0x40, s7;
	v3 =	vld [tilespmem:s5+$0x1000];
	v4 =	vmul.f32 v4, v8;
	[tilespmem:s24+$0x9000] =	vst v1  }
0x88: {  	s9 =	sor.u32 s21, s2;
	s2 =	sor.u32 s21, s6;
	s4 =	sor.u32 s1, s21;
	v1 =	vld.idx.msk [tilespmem:v0+s0+$0xFFFFFFE0 ss:$0x1], $0xffff  }
0x89: {  	s6 =	sadd.s32 s29, s12;
	s1 =	sadd.s32 s12, s13;
	s24 =	smov.u32 s30;
	v8 =	vld [tilespmem:s9+$0x1000];
	v2 =	vmul.f32 v2, v7;
	[tilespmem:s15+$0x9000] =	vst v4  }
0x8a: {  	s21 =	sor.u32 $0x100, s6;
	s30 =	sor.u32 $0x180, s6;
	s6 =	sadd.s32 $0x20, s1;
	v4 =	vld [tilespmem:s2+$0x1000]  }
0x8b: {  	s1 =	sor.u32 $0x100, s6;
	s29 =	sor.u32 $0x180, s6;
	v7 =	vld [tilespmem:s4+$0x1000];
	[tilespmem:s3+$0x9000] =	vst v2  }
0x8c: {  	v2 =	vld.idx.msk [tilespmem:v0+s0+$0xFFFFFFF0 ss:$0x1], $0xffff;
	v3 =	vmul.f32 v3, v5  }
0x8d: {  	v5 =	vld [tilespmem:s9+$0x1080]  }
0x8e: {  	v1 =	vmul.f32 v8, v1;
	v8 =	vld [tilespmem:s2+$0x1080];
	[tilespmem:s5+$0x9000] =	vst v3  }
0x8f: {  	v3 =	vld.idx.msk [tilespmem:v0+s0+$0xFFFFFFFF ss:$0x1], $0xffff  }
0x90: {  	v6 =	vmul.f32 v7, v6;
	[tilespmem:s9+$0x9000] =	vst v1;
	v1 =	vld [tilespmem:s5+$0x1080]  }
0x91: {  	v7 =	vld.idx.msk [tilespmem:v0+s0+$0xFFFFFFDF ss:$0x1], $0xffff  }
0x92: {  	v2 =	vmul.f32 v4, v2;
	[tilespmem:s4+$0x9000] =	vst v6;
	v6 =	vld [tilespmem:s4+$0x1080]  }
0x93: {  	s23 =	sadd.s32 $0x4, s23;
	v4 =	vld.idx.msk [tilespmem:v0+s0+$0xFFFFFFCF ss:$0x1], $0xffff  }
0x94: {  	s3 =	sand.u32 $0x7, s23;
	[tilespmem:s2+$0x9000] =	vst v2;
	v9 =	vld.idx.msk [tilespmem:v0+s11+$0xFFFFFFED ss:$0x1], $0xffff  }
0x95: {  	s3 =	sshll.u32 s3, $0x4;
	v2 =	vld.idx.msk [tilespmem:v0+s0+$0xFFFFFFEF ss:$0x1], $0xffff;
	v3 =	vmul.f32 v1, v3  }
0x96: {  	s3 =	sadd.s32 s12, s3;
	v1 =	vld.idx.msk [tilespmem:v0+s11+$0xFFFFFFCD ss:$0x1], $0xffff;
	s11 =	smov.u32 s0  }
0x97: {  	v5 =	vmul.f32 v5, v7;
	s0 =	sadd.s32 $0x10, s3;
	[tilespmem:s5+$0x9080] =	vst v3;
	s5 =	sadd.s32 $0x30, s3;
	v3 =	vld [tilespmem:s31+$0x1000]  }
0x98: {  	s13 =	sor.u32 $0x100, s0;
	s3 =	sor.u32 $0x180, s0;
	v7 =	vld.idx.msk [tilespmem:v0+s11+$0xFFFFFFFE ss:$0x1], $0xffff;
	s0 =	sor.u32 $0x100, s5  }
0x99: {  	v4 =	vmul.f32 v6, v4;
	[tilespmem:s9+$0x9080] =	vst v5;
	v5 =	vld [tilespmem:s0+$0x1000]  }
0x9a: {  	v10 =	vld.idx.msk [tilespmem:v0+s11+$0xFFFFFFDE ss:$0x1], $0xffff  }
0x9b: {  	v6 =	vmul.f32 v8, v2;
	[tilespmem:s4+$0x9080] =	vst v4;
	v11 =	vld [tilespmem:s13+$0x1000]  }
.Ltmp2:
0x9c: {  	v2 =	vld.idx.msk [tilespmem:v0+s11+$0xFFFFFFCE ss:$0x1], $0xffff;
	v8 =	vmul.f32 v3, v9;
	(pc) =	sbr.rel @p2 .LBB2_3-.Ltmp2, $4  }
0x9d: {  	v4 =	vld [tilespmem:s21+$0x1000];
	[tilespmem:s2+$0x9080] =	vst v6  }
0x9e: {  	v3 =	vld.idx.msk [tilespmem:v0+s11+$0xFFFFFFEE ss:$0x1], $0xffff;
	v5 =	vmul.f32 v5, v7;
	[tilespmem:s31+$0x9000] =	vst v8;
	s31 =	smov.u32 s29  }
0x9f: {  	v6 =	vld [tilespmem:s1+$0x1000]  }
0xa0: {  	p1 =	por !p1, !p1;
	v7 =	vmul.f32 v11, v10;
	[tilespmem:s0+$0x9000] =	vst v5;
	v5 =	vld [tilespmem:s24+$0x1000]  }
0xa1: {  	_ =	sdelay $0x3  }
0xa2: {  	v8 =	vld.idx.msk [tilespmem:v0+s11+$0xFFFFFFFD ss:$0x1], $0xffff;
	s0 =	sor.u32 $0x180, s5  }
0xa3: {  	[tilespmem:s13+$0x9000] =	vst v7;
	v57 =	vld [tilespmem:s0+$0x1000];
	v2 =	vmul.f32 v4, v2  }
0xa4: {  	v58 =	vld.idx.msk [tilespmem:v0+s11+$0xFFFFFFDD ss:$0x1], $0xffff  }
0xa5: {  	v59 =	vld [tilespmem:s3+$0x1000];
	v3 =	vmul.f32 v6, v3;
	[tilespmem:s21+$0x9000] =	vst v2  }
0xa6: {  	v61 =	vld.idx.msk [tilespmem:v0+s11+$0xFFFFFFCD ss:$0x1], $0xffff  }
0xa7: {  	v9 =	vld [tilespmem:s30+$0x1000];
	[tilespmem:s1+$0x9000] =	vst v3  }
0xa8: {  	v60 =	vld.idx.msk [tilespmem:v0+s11+$0xFFFFFFED ss:$0x1], $0xffff  }
0xa9: {  	v3 =	vld [tilespmem:s31+$0x1000]  }
0xaa: {  	v1 =	vmul.f32 v5, v1  }
0xab: {  	v62 =	vmul.f32 v57, v8  }
0xac: {  	p1 =	sne.s32 s8, $0x3F;
	[tilespmem:s24+$0x9000] =	vst v1;
	v63 =	vmul.f32 v59, v58  }
.Ltmp3:
0xad: {  	[tilespmem:s0+$0x9000] =	vst v62;
	v0 =	vmul.f32 v9, v61;
	(pc) =	sbr.rel @p1 .LBB2_6-.Ltmp3, $4  }
0xae: {  	[tilespmem:s3+$0x9000] =	vst v63;
	v2 =	vmul.f32 v3, v60  }
0xaf: {  	s11 =	sshll.u32 s16, $0x8;
	[tilespmem:s30+$0x9000] =	vst v0;
	s30 =	rddreg [dreg:$0x2]  }
0xb0: {  	s2 =	simm.s32 $0x200;
	s0 =	sadd.s32 s30, s11;
	[tilespmem:s31+$0x9000] =	vst v2;
	s31 =	simm.s32 $0x9000  }
0xb1: {  	[hbm4b:s0+s2] =	stream.strided.scatter [tilespmem:s31], [sflag:$0x5], $0x2000, s22, s2, $0x38;
	[tilespmem:$0x11000] =	vst v63  }
.Ltmp4:
0xb2: {  	(pc) =	sbr.rel .LBB2_7-.Ltmp4, $4  }
0xb3: {  	s0 =	simm.s32 $0x2  }
0xb4: {  	_ =	swait.ge [sflag:s0], $0x2000  }
0xb5: {  	[sflag:s0] =	ssyncset.done $0x0  }
0xb6: {  	s25 =	simm.s32 $0x200;
	[sflag:s0] =	ssyncadd.s32 $0xFFFFE000  }
.LBB2_6:
0xb7: {  	s0 =	rddreg [dreg:$0xa]  }
0xb8: {  	s0 =	sadd.s32 s10, s0  }
0xb9: {  	s0 =	sshll.u32 s0, $0x8  }
0xba: {  	s1 =	rddreg [dreg:$0x0];
	s30 =	simm.s32 $0x1000;
	s0 =	sand.u32 $0x1FFFF000, s0  }
.Ltmp5:
0xbb: {  	s31 =	simm.s32 $0x2;
	s0 =	sadd.s32 s1, s0;
	(pc) =	sbr.rel @p0 .LBB2_8-.Ltmp5, $4  }
0xbc: {  	[tilespmem:s30], [sflag:$0x1] =	stream.strided.gather [hbm4b:s0+s2], $0x2000, s22, s2, $0x38;
	[tilespmem:$0x11000] =	vst v63  }
0xbd: {  	_ =	swait.ge [sflag:s31], $0x2000  }
0xbe: {  	[sflag:s31] =	ssyncset.done $0x0  }
0xbf: {  	s25 =	simm.s32 $0x200;
	[sflag:s31] =	ssyncadd.s32 $0xFFFFE000  }
.LBB2_7:
0xc0: {  	s0 =	simm.s32 $0x6  }
0xc1: {  	_ =	swait.ge [sflag:s0], $0x2000  }
0xc2: {  	[sflag:s0] =	ssyncset.done $0x0  }
0xc3: {  	[sflag:s0] =	ssyncadd.s32 $0xFFFFE000  }
.LBB2_8:
0xc4: {  	v0 =	vmov s18  }
0xc5: {  	s0 =	simm.s32 $0x0;
	s2 =	simm.s32 $0x30  }
0xc6: {  	s3 =	sand.u32 $0x1E00, s0;
	s2 =	sand.u32 $0x70, s2  }
0xc7: {  	s4 =	simm.s32 $0x10;
	s2 =	sor.u32 s3, s2  }
0xc8: {  	s1 =	simm.s32 $0x0;
	s4 =	sand.u32 $0x50, s4;
	v2 =	vld [tilespmem:s2+$0x3000]  }
0xc9: {  	s5 =	simm.s32 $0x20;
	s4 =	sor.u32 s3, s4;
	v1 =	vld.idx.msk [tilespmem:v0+s1+$0x0 ss:$0x1], $0xffff  }
0xca: {  	s5 =	sand.u32 $0x60, s5;
	v4 =	vld [tilespmem:s4+$0x3000]  }
0xcb: {  	s5 =	sor.u32 s3, s5;
	v3 =	vld.idx.msk [tilespmem:v0+s1+$0xFFFFFFE0 ss:$0x1], $0xffff  }
0xcc: {  	s6 =	sand.u32 $0x40, s0;
	v6 =	vld [tilespmem:s5+$0x3000]  }
0xcd: {  	s3 =	sor.u32 s6, s3;
	v5 =	vld.idx.msk [tilespmem:v0+s1+$0xFFFFFFD0 ss:$0x1], $0xffff  }
0xce: {  	v1 =	vmul.f32 v2, v1;
	v2 =	vld [tilespmem:s3+$0x3000]  }
0xcf: {  	v7 =	vld.idx.msk [tilespmem:v0+s1+$0xFFFFFFF0 ss:$0x1], $0xffff  }
0xd0: {  	[tilespmem:s2+$0xB000] =	vst v1;
	v1 =	vmul.f32 v4, v3;
	v4 =	vld [tilespmem:s2+$0x3080]  }
0xd1: {  	v3 =	vld.idx.msk [tilespmem:v0+s1+$0xFFFFFFFF ss:$0x1], $0xffff  }
0xd2: {  	v8 =	vld [tilespmem:s4+$0x3080];
	[tilespmem:s4+$0xB000] =	vst v1  }
0xd3: {  	v1 =	vmul.f32 v2, v5;
	v2 =	vld.idx.msk [tilespmem:v0+s1+$0xFFFFFFDF ss:$0x1], $0xffff;
	_ =	sdelay $0x1  }
0xd4: {  	s15 =	sand.u32 $0x7, s0;
	v5 =	vmul.f32 v6, v7;
	[tilespmem:s3+$0xB000] =	vst v1;
	v1 =	vld [tilespmem:s3+$0x3080]  }
0xd5: {  	s6 =	sshll.u32 s15, $0x4;
	v6 =	vld.idx.msk [tilespmem:v0+s1+$0xFFFFFFCF ss:$0x1], $0xffff;
	v3 =	vmul.f32 v4, v3  }
0xd6: {  	s6 =	sadd.s32 $0x0, s6;
	[tilespmem:s5+$0xB000] =	vst v5;
	v4 =	vld [tilespmem:s5+$0x3080]  }
0xd7: {  	s16 =	sadd.s32 $0x30, s6;
	v5 =	vld.idx.msk [tilespmem:v0+s1+$0xFFFFFFEF ss:$0x1], $0xffff;
	v2 =	vmul.f32 v8, v2;
	[tilespmem:s2+$0xB080] =	vst v3  }
0xd8: {  	s7 =	sor.u32 $0x2100, s16;
	v3 =	vld.idx.msk [tilespmem:v0+s1+$0xFFFFFFFE ss:$0x1], $0xffff  }
0xd9: {  	p1 =	por $0x0, $0x0;
	s9 =	simm.s32 $0x1;
	s6 =	sadd.s32 $0x10, s6;
	[tilespmem:s4+$0xB080] =	vst v2;
	v2 =	vld [tilespmem:s7+$0x1000]  }
0xda: {  	s9 =	simm.s32 @!p1 $0x0;
	s12 =	sor.u32 $0x2100, s6;
	v1 =	vmul.f32 v1, v6;
	v6 =	vld.idx.msk [tilespmem:v0+s1+$0xFFFFFFDE ss:$0x1], $0xffff  }
0xdb: {  	s0 =	sand.u32 $0x3, s0;
	s21 =	sshll.u32 s9, $0x6;
	v7 =	vld [tilespmem:s12+$0x1000]  }
0xdc: {  	s23 =	sshll.u32 s0, $0x5;
	s0 =	sadd.s32 $0x0, s21;
	[tilespmem:s3+$0xB080] =	vst v1;
	v1 =	vmul.f32 v4, v5  }
0xdd: {  	s24 =	sadd.s32 $0x0, s23;
	s9 =	sor.u32 $0x2100, s0;
	v4 =	vld.idx.msk [tilespmem:v0+s1+$0xFFFFFFCE ss:$0x1], $0xffff  }
0xde: {  	s4 =	sadd.s32 $0x20, s24;
	v5 =	vld [tilespmem:s9+$0x1000];
	[tilespmem:s5+$0xB080] =	vst v1;
	v1 =	vmul.f32 v2, v3  }
0xdf: {  	s5 =	sor.u32 $0x2100, s4;
	v2 =	vld.idx.msk [tilespmem:v0+s1+$0xFFFFFFEE ss:$0x1], $0xffff  }
0xe0: {  	v3 =	vld [tilespmem:s5+$0x1000];
	v6 =	vmul.f32 v7, v6;
	[tilespmem:s7+$0x9000] =	vst v1  }
0xe1: {  	s21 =	sor.u32 $0x2180, s16;
	v7 =	vld.idx.msk [tilespmem:v0+s1+$0xFFFFFFFD ss:$0x1], $0xffff  }
0xe2: {  	[tilespmem:s12+$0x9000] =	vst v6;
	v6 =	vld [tilespmem:s21+$0x1000]  }
0xe3: {  	s3 =	sor.u32 $0x2180, s6;
	v8 =	vld.idx.msk [tilespmem:v0+s1+$0xFFFFFFDD ss:$0x1], $0xffff  }
0xe4: {  	s12 =	simm.s32 $0x40;
	v9 =	vld [tilespmem:s3+$0x1000]  }
0xe5: {  	s26 =	simm.s32 $0x70;
	s7 =	simm.s32 $0x100;
	v1 =	vld.idx.msk [tilespmem:v0+s12+$0xFFFFFFD0 ss:$0x1], $0xffff  }
0xe6: {  	s2 =	sand.u32 $0x70, s26;
	s29 =	sand.u32 $0x1E00, s7;
	v10 =	vld.idx.msk [tilespmem:v0+s12+$0x0 ss:$0x1], $0xffff  }
0xe7: {  	s13 =	simm.s32 $0x50;
	s15 =	sor.u32 s29, s2;
	v12 =	vld.idx.msk [tilespmem:v0+s12+$0xFFFFFFE0 ss:$0x1], $0xffff  }
0xe8: {  	s13 =	sand.u32 $0x50, s13;
	s23 =	simm.s32 $0x40;
	v11 =	vld [tilespmem:s15+$0x3000]  }
0xe9: {  	s16 =	sand.u32 $0x40, s23;
	s13 =	sor.u32 s29, s13;
	v16 =	vld.idx.msk [tilespmem:v0+s12+$0xFFFFFFF0 ss:$0x1], $0xffff  }
0xea: {  	s6 =	sor.u32 s16, s29;
	v13 =	vld [tilespmem:s13+$0x3000]  }
0xeb: {  	s24 =	simm.s32 $0x60;
	v15 =	vld [tilespmem:s6+$0x3000]  }
0xec: {  	s2 =	sand.u32 $0x60, s24;
	v56 =	vld [tilespmem:s13+$0x3080]  }
0xed: {  	s2 =	sor.u32 s29, s2;
	v58 =	vld [tilespmem:s15+$0x3080];
	v10 =	vmul.f32 v11, v10  }
0xee: {  	v14 =	vld [tilespmem:s2+$0x3000]  }
0xef: {  	v59 =	vld [tilespmem:s6+$0x3080];
	v12 =	vmul.f32 v13, v12;
	[tilespmem:s15+$0xB000] =	vst v10  }
0xf0: {  	v2 =	vmul.f32 v3, v2;
	v10 =	vld.idx.msk [tilespmem:v0+s12+$0xFFFFFFFF ss:$0x1], $0xffff  }
0xf1: {  	v57 =	vld [tilespmem:s2+$0x3080];
	v1 =	vmul.f32 v15, v1;
	[tilespmem:s13+$0xB000] =	vst v12  }
0xf2: {  	[tilespmem:s5+$0x9000] =	vst v2;
	v3 =	vld.idx.msk [tilespmem:v0+s12+$0xFFFFFFDF ss:$0x1], $0xffff  }
0xf3: {  	v4 =	vmul.f32 v5, v4;
	s16 =	simm.s32 $0x4;
	v5 =	vld.idx.msk [tilespmem:v0+s1+$0xFFFFFFED ss:$0x1], $0xffff;
	[tilespmem:s6+$0xB000] =	vst v1;
	v1 =	vmul.f32 v14, v16  }
0xf4: {  	s4 =	sor.u32 $0x2180, s4;
	s26 =	sand.u32 $0x7, s16;
	v2 =	vld.idx.msk [tilespmem:v0+s12+$0xFFFFFFCF ss:$0x1], $0xffff  }
0xf5: {  	s5 =	sshll.u32 s26, $0x4;
	v60 =	vld [tilespmem:s4+$0x1000];
	[tilespmem:s2+$0xB000] =	vst v1;
	v10 =	vmul.f32 v58, v10  }
0xf6: {  	[tilespmem:s9+$0x9000] =	vst v4;
	s29 =	sadd.s32 $0x100, s5;
	v4 =	vld.idx.msk [tilespmem:v0+s12+$0xFFFFFFEF ss:$0x1], $0xffff  }
0xf7: {  	s5 =	sadd.s32 $0x30, s29;
	v1 =	vld.idx.msk [tilespmem:v0+s1+$0xFFFFFFCD ss:$0x1], $0xffff;
	v3 =	vmul.f32 v56, v3;
	[tilespmem:s15+$0xB080] =	vst v10  }
0xf8: {  	p1 =	por !p1, !p1;
	s1 =	simm.s32 $0x1;
	s15 =	sor.u32 $0x2100, s5;
	v61 =	vld.idx.msk [tilespmem:v0+s12+$0xFFFFFFFE ss:$0x1], $0xffff  }
0xf9: {  	s26 =	simm.s32 $0x2;
	s9 =	sadd.s32 $0x10, s29;
	s1 =	simm.s32 @!p1 $0x0;
	v2 =	vmul.f32 v59, v2;
	[tilespmem:s13+$0xB080] =	vst v3;
	v62 =	vld [tilespmem:s15+$0x1000]  }
0xfa: {  	s24 =	sand.u32 $0x3, s26;
	s1 =	sshll.u32 s1, $0x6;
	v3 =	vmul.f32 v6, v7;
	s13 =	sor.u32 $0x2100, s9;
	v7 =	vld.idx.msk [tilespmem:v0+s12+$0xFFFFFFDE ss:$0x1], $0xffff  }
0xfb: {  	s24 =	sshll.u32 s24, $0x5;
	s29 =	sadd.s32 $0x100, s1;
	[tilespmem:s6+$0xB080] =	vst v2;
	v4 =	vmul.f32 v57, v4;
	v63 =	vld [tilespmem:s13+$0x1000]  }
0xfc: {  	s24 =	sadd.s32 $0x100, s24;
	v6 =	vmul.f32 v9, v8;
	v2 =	vld.idx.msk [tilespmem:v0+s12+$0xFFFFFFCE ss:$0x1], $0xffff;
	[tilespmem:s21+$0x9000] =	vst v3;
	s21 =	sor.u32 $0x2100, s29  }
0xfd: {  	v8 =	vmul.f32 v60, v5;
	s6 =	sadd.s32 $0x20, s24;
	[tilespmem:s2+$0xB080] =	vst v4;
	v5 =	vld [tilespmem:s21+$0x1000]  }
0xfe: {  	s1 =	sor.u32 $0x2100, s6;
	[tilespmem:s3+$0x9000] =	vst v6;
	v3 =	vld.idx.msk [tilespmem:v0+s12+$0xFFFFFFEE ss:$0x1], $0xffff;
	v4 =	vmul.f32 v62, v61  }
0xff: {  	s28 =	simm.s32 $0x4;
	p1 =	por !p1, !p1;
	s24 =	sor.u32 $0x2180, s0;
	[tilespmem:s4+$0x9000] =	vst v8;
	v6 =	vld [tilespmem:s1+$0x1000]  }
0x100: {  	s30 =	sor.u32 $0x2180, s29;
	s31 =	sor.u32 $0x2180, s6;
	s3 =	sor.u32 $0x2180, s9;
	v7 =	vmul.f32 v63, v7;
	[tilespmem:s15+$0x9000] =	vst v4;
	v4 =	vld [tilespmem:s24+$0x1000]  }
.LBB2_9:
0x101: {  	s0 =	simm.s32 $0x1  }
0x102: {  	v8 =	vld.idx.msk [tilespmem:v0+s12+$0xFFFFFFFD ss:$0x1], $0xffff;
	s6 =	sor.u32 $0x2180, s5;
	s26 =	sadd.s32 $0x2, s26;
	s0 =	simm.s32 @!p1 $0x0  }
0x103: {  	s2 =	sand.u32 $0x3, s26;
	v2 =	vmul.f32 v5, v2;
	s15 =	sshll.u32 s0, $0x6;
	[tilespmem:s13+$0x9000] =	vst v7;
	v5 =	vld [tilespmem:s6+$0x1000]  }
0x104: {  	s7 =	sadd.s32 $0x100, s7;
	s23 =	sadd.s32 $0x40, s23;
	s13 =	sshll.u32 s2, $0x5;
	v7 =	vld.idx.msk [tilespmem:v0+s12+$0xFFFFFFDD ss:$0x1], $0xffff  }
0x105: {  	s28 =	sadd.s32 $0x4, s28;
	s0 =	sshra.s32 s7, $0x2;
	s2 =	sadd.s32 $0x30, s23;
	v3 =	vmul.f32 v6, v3;
	[tilespmem:s21+$0x9000] =	vst v2;
	v2 =	vld [tilespmem:s3+$0x1000]  }
0x106: {  	p2 =	slt.u32 s28, $0x7C;
	s2 =	sand.u32 $0x70, s2;
	s21 =	sand.u32 $0x1E00, s7;
	v1 =	vmul.f32 v4, v1;
	v6 =	vld.idx.msk [tilespmem:v0+s0+$0xFFFFFFD0 ss:$0x1], $0xffff  }
0x107: {  	s4 =	sadd.s32 $0x10, s23;
	s9 =	sadd.s32 $0x20, s23;
	s5 =	sor.u32 s21, s2;
	v4 =	vld.idx.msk [tilespmem:v0+s0+$0x0 ss:$0x1], $0xffff;
	[tilespmem:s1+$0x9000] =	vst v3  }
0x108: {  	s29 =	sand.u32 $0x60, s9;
	s2 =	sand.u32 $0x50, s4;
	s1 =	sand.u32 $0x40, s23;
	v3 =	vld [tilespmem:s5+$0x3000];
	v5 =	vmul.f32 v5, v8;
	[tilespmem:s24+$0x9000] =	vst v1  }
0x109: {  	s9 =	sor.u32 s21, s2;
	s2 =	sor.u32 s21, s29;
	s4 =	sor.u32 s1, s21;
	v1 =	vld.idx.msk [tilespmem:v0+s0+$0xFFFFFFE0 ss:$0x1], $0xffff  }
0x10a: {  	s1 =	sadd.s32 s7, s13;
	s13 =	sadd.s32 s15, s7;
	s24 =	smov.u32 s30;
	v8 =	vld [tilespmem:s9+$0x3000];
	v2 =	vmul.f32 v2, v7;
	[tilespmem:s6+$0x9000] =	vst v5  }
0x10b: {  	s21 =	sor.u32 $0x2100, s13;
	s30 =	sor.u32 $0x2180, s13;
	s6 =	sadd.s32 $0x20, s1;
	v5 =	vld [tilespmem:s2+$0x3000]  }
0x10c: {  	s1 =	sor.u32 $0x2100, s6;
	s29 =	sor.u32 $0x2180, s6;
	v7 =	vld [tilespmem:s4+$0x3000];
	[tilespmem:s3+$0x9000] =	vst v2  }
0x10d: {  	v2 =	vld.idx.msk [tilespmem:v0+s0+$0xFFFFFFF0 ss:$0x1], $0xffff;
	v3 =	vmul.f32 v3, v4  }
0x10e: {  	v4 =	vld [tilespmem:s9+$0x3080]  }
0x10f: {  	v1 =	vmul.f32 v8, v1;
	v8 =	vld [tilespmem:s2+$0x3080];
	[tilespmem:s5+$0xB000] =	vst v3  }
0x110: {  	v3 =	vld.idx.msk [tilespmem:v0+s0+$0xFFFFFFFF ss:$0x1], $0xffff  }
0x111: {  	v6 =	vmul.f32 v7, v6;
	[tilespmem:s9+$0xB000] =	vst v1;
	v1 =	vld [tilespmem:s5+$0x3080]  }
0x112: {  	v7 =	vld.idx.msk [tilespmem:v0+s0+$0xFFFFFFDF ss:$0x1], $0xffff  }
0x113: {  	v2 =	vmul.f32 v5, v2;
	[tilespmem:s4+$0xB000] =	vst v6;
	v6 =	vld [tilespmem:s4+$0x3080]  }
0x114: {  	s16 =	sadd.s32 $0x4, s16;
	v5 =	vld.idx.msk [tilespmem:v0+s0+$0xFFFFFFCF ss:$0x1], $0xffff  }
0x115: {  	s3 =	sand.u32 $0x7, s16;
	[tilespmem:s2+$0xB000] =	vst v2;
	v9 =	vld.idx.msk [tilespmem:v0+s12+$0xFFFFFFED ss:$0x1], $0xffff  }
0x116: {  	s3 =	sshll.u32 s3, $0x4;
	v2 =	vld.idx.msk [tilespmem:v0+s0+$0xFFFFFFEF ss:$0x1], $0xffff;
	v3 =	vmul.f32 v1, v3  }
0x117: {  	s3 =	sadd.s32 s7, s3;
	v1 =	vld.idx.msk [tilespmem:v0+s12+$0xFFFFFFCD ss:$0x1], $0xffff;
	s12 =	smov.u32 s0  }
0x118: {  	v4 =	vmul.f32 v4, v7;
	s0 =	sadd.s32 $0x10, s3;
	[tilespmem:s5+$0xB080] =	vst v3;
	s5 =	sadd.s32 $0x30, s3;
	v3 =	vld [tilespmem:s31+$0x1000]  }
0x119: {  	s13 =	sor.u32 $0x2100, s0;
	s3 =	sor.u32 $0x2180, s0;
	v7 =	vld.idx.msk [tilespmem:v0+s12+$0xFFFFFFFE ss:$0x1], $0xffff;
	s0 =	sor.u32 $0x2100, s5  }
0x11a: {  	v5 =	vmul.f32 v6, v5;
	[tilespmem:s9+$0xB080] =	vst v4;
	v4 =	vld [tilespmem:s0+$0x1000]  }
0x11b: {  	v10 =	vld.idx.msk [tilespmem:v0+s12+$0xFFFFFFDE ss:$0x1], $0xffff  }
0x11c: {  	v6 =	vmul.f32 v8, v2;
	[tilespmem:s4+$0xB080] =	vst v5;
	v11 =	vld [tilespmem:s13+$0x1000]  }
.Ltmp6:
0x11d: {  	v2 =	vld.idx.msk [tilespmem:v0+s12+$0xFFFFFFCE ss:$0x1], $0xffff;
	v8 =	vmul.f32 v3, v9;
	(pc) =	sbr.rel @p2 .LBB2_9-.Ltmp6, $4  }
0x11e: {  	v5 =	vld [tilespmem:s21+$0x1000];
	[tilespmem:s2+$0xB080] =	vst v6  }
0x11f: {  	v3 =	vld.idx.msk [tilespmem:v0+s12+$0xFFFFFFEE ss:$0x1], $0xffff;
	v4 =	vmul.f32 v4, v7;
	[tilespmem:s31+$0x9000] =	vst v8;
	s31 =	smov.u32 s29  }
0x120: {  	v6 =	vld [tilespmem:s1+$0x1000]  }
0x121: {  	p1 =	por !p1, !p1;
	v7 =	vmul.f32 v11, v10;
	[tilespmem:s0+$0x9000] =	vst v4;
	v4 =	vld [tilespmem:s24+$0x1000]  }
0x122: {  	_ =	sdelay $0x3  }
0x123: {  	v8 =	vld.idx.msk [tilespmem:v0+s12+$0xFFFFFFFD ss:$0x1], $0xffff;
	s0 =	sor.u32 $0x2180, s5  }
0x124: {  	[tilespmem:s13+$0x9000] =	vst v7;
	v7 =	vld [tilespmem:s0+$0x1000];
	v2 =	vmul.f32 v5, v2  }
0x125: {  	v5 =	vld.idx.msk [tilespmem:v0+s12+$0xFFFFFFDD ss:$0x1], $0xffff;
	v3 =	vmul.f32 v6, v3  }
0x126: {  	v6 =	vld [tilespmem:s3+$0x1000];
	[tilespmem:s21+$0x9000] =	vst v2  }
0x127: {  	v9 =	vld [tilespmem:s30+$0x1000];
	[tilespmem:s1+$0x9000] =	vst v3  }
0x128: {  	v2 =	vld.idx.msk [tilespmem:v0+s12+$0xFFFFFFED ss:$0x1], $0xffff  }
0x129: {  	v3 =	vld [tilespmem:s31+$0x1000]  }
0x12a: {  	v0 =	vld.idx.msk [tilespmem:v0+s12+$0xFFFFFFCD ss:$0x1], $0xffff  }
0x12b: {  	v1 =	vmul.f32 v4, v1  }
0x12c: {  	v4 =	vmul.f32 v7, v8  }
0x12d: {  	[tilespmem:s24+$0x9000] =	vst v1;
	v1 =	vmul.f32 v6, v5  }
0x12e: {  	[tilespmem:s0+$0x9000] =	vst v4;
	v2 =	vmul.f32 v3, v2  }
0x12f: {  	[tilespmem:s3+$0x9000] =	vst v1;
	v0 =	vmul.f32 v9, v0  }
0x130: {  	[tilespmem:s31+$0x9000] =	vst v2  }
0x131: {  	[tilespmem:s30+$0x9000] =	vst v0  }
0x132: {  	s0 =	rddreg [dreg:$0xb]  }
0x133: {  	s13 =	simm.s32 $0xB000;
	s0 =	sadd.s32 s11, s0  }
0x134: {  	[hbm4b:s0+s25] =	stream.strided.scatter [tilespmem:s13], [sflag:$0x6], $0x2000, s22, s25, $0x38;
	[tilespmem:$0x11000] =	vst v63  }
0x135: {  	p1 =	seq.s32 s8, $0x3F;
	s0 =	rddreg [dreg:$0xa]  }
0x136: {  	s0 =	sadd.s32 @!p1 s10, s0  }
0x137: {  	s15 =	simm.s32 $0x3;
	s0 =	sshll.u32 @!p1 s0, $0x8  }
0x138: {  	s2 =	simm.s32 @!p1 $0x400;
	s1 =	rddreg [dreg:$0x6];
	s0 =	sand.u32 @!p1 $0x1FFFF000, s0  }
0x139: {  	s3 =	simm.s32 @!p1 $0x3000;
	s0 =	sadd.s32 @!p1 s0, s1;
	s1 =	simm.s32 @!p1 $0x200  }
0x13a: {  	[tilespmem:s3], [sflag:$0x2] =	stream.strided.gather @!p1 [hbm4b:s0+s1], $0x2000, s2, s1, $0x38;
	[tilespmem:$0x11000] =	vst v63  }
0x13b: {  	_ =	swait.ge [sflag:s15], $0x2000  }
0x13c: {  	v0 =	vmov s19;
	[sflag:s15] =	ssyncset.done $0x0  }
0x13d: {  	s0 =	simm.s32 @!p0 $0x7;
	[sflag:s15] =	ssyncadd.s32 $0xFFFFE000  }
0x13e: {  	s16 =	simm.s32 $0x0;
	_ =	swait.ge @!p0 [sflag:s0], $0x2000  }
0x13f: {  	s23 =	sand.u32 $0x1E00, s16;
	s21 =	simm.s32 $0x30;
	[sflag:s0] =	ssyncset.done @!p0 $0x0  }
0x140: {  	s1 =	simm.s32 $0x0;
	s2 =	sand.u32 $0x70, s21;
	[sflag:s0] =	ssyncadd.s32 @!p0 $0xFFFFE000  }
0x141: {  	s4 =	simm.s32 $0x10;
	s2 =	sor.u32 s23, s2;
	v1 =	vld.idx.msk [tilespmem:v0+s1+$0x0 ss:$0x1], $0xffff  }
0x142: {  	s4 =	sand.u32 $0x50, s4;
	v2 =	vld [tilespmem:s2+$0x5000]  }
0x143: {  	s4 =	sor.u32 s23, s4;
	s24 =	simm.s32 $0x20;
	v3 =	vld.idx.msk [tilespmem:v0+s1+$0xFFFFFFE0 ss:$0x1], $0xffff  }
0x144: {  	s5 =	sand.u32 $0x60, s24;
	v4 =	vld [tilespmem:s4+$0x5000]  }
0x145: {  	s5 =	sor.u32 s23, s5;
	v5 =	vld.idx.msk [tilespmem:v0+s1+$0xFFFFFFD0 ss:$0x1], $0xffff  }
0x146: {  	s6 =	sand.u32 $0x40, s16;
	v6 =	vld [tilespmem:s5+$0x5000]  }
0x147: {  	s3 =	sor.u32 s6, s23;
	v7 =	vld.idx.msk [tilespmem:v0+s1+$0xFFFFFFF0 ss:$0x1], $0xffff  }
0x148: {  	v1 =	vmul.f32 v2, v1;
	v2 =	vld [tilespmem:s3+$0x5000]  }
0x149: {  	s12 =	simm.s32 $0x40;
	v8 =	vld [tilespmem:s4+$0x5080]  }
0x14a: {  	v10 =	vld.idx.msk [tilespmem:v0+s12+$0x0 ss:$0x1], $0xffff  }
0x14b: {  	[tilespmem:s2+$0xD000] =	vst v1;
	v1 =	vmul.f32 v4, v3;
	v4 =	vld [tilespmem:s2+$0x5080]  }
0x14c: {  	v3 =	vld.idx.msk [tilespmem:v0+s1+$0xFFFFFFFF ss:$0x1], $0xffff  }
0x14d: {  	v12 =	vld.idx.msk [tilespmem:v0+s12+$0xFFFFFFE0 ss:$0x1], $0xffff;
	[tilespmem:s4+$0xD000] =	vst v1;
	v1 =	vmul.f32 v2, v5  }
0x14e: {  	v2 =	vld.idx.msk [tilespmem:v0+s1+$0xFFFFFFDF ss:$0x1], $0xffff  }
0x14f: {  	v5 =	vmul.f32 v6, v7;
	[tilespmem:s3+$0xD000] =	vst v1;
	v1 =	vld [tilespmem:s3+$0x5080]  }
0x150: {  	s25 =	sand.u32 $0x7, s16;
	v6 =	vld.idx.msk [tilespmem:v0+s1+$0xFFFFFFCF ss:$0x1], $0xffff  }
0x151: {  	s6 =	sshll.u32 s25, $0x4;
	[tilespmem:s5+$0xD000] =	vst v5;
	v3 =	vmul.f32 v4, v3;
	v4 =	vld [tilespmem:s5+$0x5080]  }
0x152: {  	s6 =	sadd.s32 $0x0, s6;
	v5 =	vld.idx.msk [tilespmem:v0+s1+$0xFFFFFFEF ss:$0x1], $0xffff  }
0x153: {  	s26 =	sadd.s32 $0x30, s6;
	v16 =	vld.idx.msk [tilespmem:v0+s12+$0xFFFFFFF0 ss:$0x1], $0xffff;
	v2 =	vmul.f32 v8, v2;
	[tilespmem:s2+$0xD080] =	vst v3  }
0x154: {  	p2 =	por $0x0, $0x0;
	s9 =	simm.s32 $0x1;
	s7 =	sor.u32 $0x4100, s26;
	v3 =	vld.idx.msk [tilespmem:v0+s1+$0xFFFFFFFE ss:$0x1], $0xffff  }
0x155: {  	s9 =	simm.s32 @!p2 $0x0;
	s6 =	sadd.s32 $0x10, s6;
	[tilespmem:s4+$0xD080] =	vst v2;
	v2 =	vld [tilespmem:s7+$0x1000];
	v1 =	vmul.f32 v1, v6  }
0x156: {  	s13 =	sshll.u32 s9, $0x6;
	s29 =	sor.u32 $0x4100, s6;
	s0 =	sand.u32 $0x3, s16;
	v6 =	vld.idx.msk [tilespmem:v0+s1+$0xFFFFFFDE ss:$0x1], $0xffff  }
0x157: {  	s15 =	sshll.u32 s0, $0x5;
	s0 =	sadd.s32 $0x0, s13;
	v7 =	vld [tilespmem:s29+$0x1000];
	[tilespmem:s3+$0xD080] =	vst v1;
	v1 =	vmul.f32 v4, v5  }
0x158: {  	s16 =	sadd.s32 $0x0, s15;
	s9 =	sor.u32 $0x4100, s0;
	v4 =	vld.idx.msk [tilespmem:v0+s1+$0xFFFFFFCE ss:$0x1], $0xffff  }
0x159: {  	s4 =	sadd.s32 $0x20, s16;
	v5 =	vld [tilespmem:s9+$0x1000];
	[tilespmem:s5+$0xD080] =	vst v1  }
0x15a: {  	s21 =	sor.u32 $0x4100, s4;
	v1 =	vmul.f32 v2, v3;
	v2 =	vld.idx.msk [tilespmem:v0+s1+$0xFFFFFFEE ss:$0x1], $0xffff  }
0x15b: {  	v3 =	vld [tilespmem:s21+$0x1000]  }
0x15c: {  	v6 =	vmul.f32 v7, v6;
	[tilespmem:s7+$0x9000] =	vst v1;
	v1 =	vld.idx.msk [tilespmem:v0+s12+$0xFFFFFFD0 ss:$0x1], $0xffff  }
0x15d: {  	s23 =	simm.s32 $0x70;
	s11 =	sor.u32 $0x4180, s26;
	s7 =	simm.s32 $0x100;
	v7 =	vld.idx.msk [tilespmem:v0+s1+$0xFFFFFFFD ss:$0x1], $0xffff  }
0x15e: {  	s2 =	sand.u32 $0x70, s23;
	[tilespmem:s29+$0x9000] =	vst v6;
	v6 =	vld [tilespmem:s11+$0x1000];
	s24 =	sand.u32 $0x1E00, s7  }
0x15f: {  	s25 =	simm.s32 $0x50;
	v8 =	vld.idx.msk [tilespmem:v0+s1+$0xFFFFFFDD ss:$0x1], $0xffff;
	s15 =	sor.u32 s24, s2  }
0x160: {  	s13 =	sand.u32 $0x50, s25;
	s23 =	simm.s32 $0x40;
	s3 =	sor.u32 $0x4180, s6;
	v11 =	vld [tilespmem:s15+$0x5000]  }
0x161: {  	s16 =	sand.u32 $0x40, s23;
	v55 =	vld [tilespmem:s3+$0x1000];
	s13 =	sor.u32 s24, s13  }
0x162: {  	s6 =	sor.u32 s16, s24;
	v13 =	vld [tilespmem:s13+$0x5000]  }
0x163: {  	v15 =	vld [tilespmem:s6+$0x5000]  }
0x164: {  	s26 =	simm.s32 $0x60;
	v56 =	vld [tilespmem:s13+$0x5080]  }
0x165: {  	s2 =	sand.u32 $0x60, s26;
	v58 =	vld [tilespmem:s15+$0x5080];
	v10 =	vmul.f32 v11, v10  }
0x166: {  	s2 =	sor.u32 s24, s2;
	v59 =	vld [tilespmem:s6+$0x5080]  }
0x167: {  	v14 =	vld [tilespmem:s2+$0x5000];
	v12 =	vmul.f32 v13, v12;
	[tilespmem:s15+$0xD000] =	vst v10  }
0x168: {  	v2 =	vmul.f32 v3, v2;
	v10 =	vld.idx.msk [tilespmem:v0+s12+$0xFFFFFFFF ss:$0x1], $0xffff  }
0x169: {  	v57 =	vld [tilespmem:s2+$0x5080];
	[tilespmem:s13+$0xD000] =	vst v12  }
0x16a: {  	[tilespmem:s21+$0x9000] =	vst v2;
	v1 =	vmul.f32 v15, v1;
	v3 =	vld.idx.msk [tilespmem:v0+s12+$0xFFFFFFDF ss:$0x1], $0xffff  }
0x16b: {  	s4 =	sor.u32 $0x4180, s4;
	v4 =	vmul.f32 v5, v4;
	s16 =	simm.s32 $0x4;
	v5 =	vld.idx.msk [tilespmem:v0+s1+$0xFFFFFFED ss:$0x1], $0xffff  }
0x16c: {  	s29 =	sand.u32 $0x7, s16;
	v60 =	vld [tilespmem:s4+$0x1000];
	[tilespmem:s6+$0xD000] =	vst v1;
	v1 =	vmul.f32 v14, v16  }
0x16d: {  	[tilespmem:s9+$0x9000] =	vst v4;
	s5 =	sshll.u32 s29, $0x4;
	v2 =	vld.idx.msk [tilespmem:v0+s12+$0xFFFFFFCF ss:$0x1], $0xffff;
	v10 =	vmul.f32 v58, v10  }
0x16e: {  	s21 =	sadd.s32 $0x100, s5;
	[tilespmem:s2+$0xD000] =	vst v1;
	v1 =	vld.idx.msk [tilespmem:v0+s1+$0xFFFFFFCD ss:$0x1], $0xffff  }
0x16f: {  	s5 =	sadd.s32 $0x30, s21;
	v4 =	vld.idx.msk [tilespmem:v0+s12+$0xFFFFFFEF ss:$0x1], $0xffff;
	v3 =	vmul.f32 v56, v3;
	[tilespmem:s15+$0xD080] =	vst v10  }
0x170: {  	s15 =	sor.u32 $0x4100, s5;
	v61 =	vld.idx.msk [tilespmem:v0+s12+$0xFFFFFFFE ss:$0x1], $0xffff  }
0x171: {  	p2 =	por !p2, !p2;
	s9 =	sadd.s32 $0x10, s21;
	s1 =	simm.s32 $0x1;
	v5 =	vmul.f32 v60, v5;
	[tilespmem:s13+$0xD080] =	vst v3;
	v62 =	vld [tilespmem:s15+$0x1000]  }
0x172: {  	s26 =	simm.s32 $0x2;
	s1 =	simm.s32 @!p2 $0x0;
	v2 =	vmul.f32 v59, v2;
	v3 =	vmul.f32 v6, v7;
	s13 =	sor.u32 $0x4100, s9;
	v7 =	vld.idx.msk [tilespmem:v0+s12+$0xFFFFFFDE ss:$0x1], $0xffff  }
0x173: {  	s28 =	sor.u32 $0x4180, s0;
	s24 =	sand.u32 $0x3, s26;
	s1 =	sshll.u32 s1, $0x6;
	[tilespmem:s4+$0x9000] =	vst v5;
	v63 =	vld [tilespmem:s13+$0x1000]  }
0x174: {  	s25 =	sshll.u32 s24, $0x5;
	v5 =	vld [tilespmem:s28+$0x1000];
	s29 =	sadd.s32 $0x100, s1;
	[tilespmem:s6+$0xD080] =	vst v2;
	v4 =	vmul.f32 v57, v4  }
0x175: {  	s21 =	simm.s32 $0x4;
	s1 =	sor.u32 $0x4100, s29;
	v6 =	vmul.f32 v55, v8;
	s6 =	sadd.s32 $0x100, s25;
	v2 =	vld.idx.msk [tilespmem:v0+s12+$0xFFFFFFCE ss:$0x1], $0xffff;
	[tilespmem:s11+$0x9000] =	vst v3  }
0x176: {  	s0 =	sor.u32 $0x4180, s9;
	p2 =	por !p2, !p2;
	s6 =	sadd.s32 $0x20, s6;
	[tilespmem:s2+$0xD080] =	vst v4;
	v4 =	vld [tilespmem:s1+$0x1000];
	v8 =	vmul.f32 v62, v61  }
0x177: {  	s31 =	sor.u32 $0x4180, s29;
	s11 =	sadd.s32 s10, s14;
	[tilespmem:s3+$0x9000] =	vst v6;
	s3 =	sor.u32 $0x4100, s6;
	v3 =	vld.idx.msk [tilespmem:v0+s12+$0xFFFFFFEE ss:$0x1], $0xffff  }
0x178: {  	s25 =	smov.u32 s14;
	s24 =	sor.u32 $0x4180, s6;
	s30 =	sadd.s32 $0x8, s11;
	v6 =	vld [tilespmem:s3+$0x1000];
	v7 =	vmul.f32 v63, v7;
	[tilespmem:s15+$0x9000] =	vst v8  }
.LBB2_11:
0x179: {  	s2 =	simm.s32 $0x1  }
0x17a: {  	v8 =	vld.idx.msk [tilespmem:v0+s12+$0xFFFFFFFD ss:$0x1], $0xffff;
	s6 =	sor.u32 $0x4180, s5;
	s26 =	sadd.s32 $0x2, s26;
	s2 =	simm.s32 @!p2 $0x0  }
0x17b: {  	s4 =	sand.u32 $0x3, s26;
	v2 =	vmul.f32 v4, v2;
	s15 =	sshll.u32 s2, $0x6;
	[tilespmem:s13+$0x9000] =	vst v7;
	v4 =	vld [tilespmem:s6+$0x1000]  }
0x17c: {  	s7 =	sadd.s32 $0x100, s7;
	s23 =	sadd.s32 $0x40, s23;
	s29 =	sshll.u32 s4, $0x5;
	v7 =	vld.idx.msk [tilespmem:v0+s12+$0xFFFFFFDD ss:$0x1], $0xffff  }
0x17d: {  	s21 =	sadd.s32 $0x4, s21;
	s5 =	sshra.s32 s7, $0x2;
	s2 =	sadd.s32 $0x30, s23;
	v3 =	vmul.f32 v6, v3;
	[tilespmem:s1+$0x9000] =	vst v2;
	v2 =	vld [tilespmem:s0+$0x1000]  }
0x17e: {  	p3 =	slt.u32 s21, $0x7C;
	s2 =	sand.u32 $0x70, s2;
	s1 =	sand.u32 $0x1E00, s7;
	v1 =	vmul.f32 v5, v1;
	v6 =	vld.idx.msk [tilespmem:v0+s5+$0xFFFFFFD0 ss:$0x1], $0xffff  }
0x17f: {  	s9 =	sadd.s32 $0x20, s23;
	s4 =	sadd.s32 $0x10, s23;
	s13 =	sor.u32 s1, s2;
	v5 =	vld.idx.msk [tilespmem:v0+s5+$0x0 ss:$0x1], $0xffff;
	[tilespmem:s3+$0x9000] =	vst v3  }
0x180: {  	s14 =	sand.u32 $0x60, s9;
	s2 =	sand.u32 $0x40, s23;
	s3 =	sand.u32 $0x50, s4;
	v3 =	vld [tilespmem:s13+$0x5000];
	v4 =	vmul.f32 v4, v8;
	[tilespmem:s28+$0x9000] =	vst v1  }
0x181: {  	s4 =	sor.u32 s2, s1;
	s2 =	sor.u32 s1, s14;
	s9 =	sor.u32 s1, s3;
	v1 =	vld.idx.msk [tilespmem:v0+s5+$0xFFFFFFE0 ss:$0x1], $0xffff  }
0x182: {  	s14 =	sadd.s32 s15, s7;
	s3 =	sadd.s32 s7, s29;
	s28 =	smov.u32 s31;
	v8 =	vld [tilespmem:s9+$0x5000];
	v2 =	vmul.f32 v2, v7;
	[tilespmem:s6+$0x9000] =	vst v4  }
0x183: {  	s1 =	sor.u32 $0x4100, s14;
	s31 =	sor.u32 $0x4180, s14;
	s6 =	sadd.s32 $0x20, s3;
	v4 =	vld [tilespmem:s2+$0x5000]  }
0x184: {  	s3 =	sor.u32 $0x4100, s6;
	s29 =	sor.u32 $0x4180, s6;
	v7 =	vld [tilespmem:s4+$0x5000];
	[tilespmem:s0+$0x9000] =	vst v2  }
0x185: {  	v2 =	vld.idx.msk [tilespmem:v0+s5+$0xFFFFFFF0 ss:$0x1], $0xffff;
	v3 =	vmul.f32 v3, v5  }
0x186: {  	v5 =	vld [tilespmem:s9+$0x5080]  }
0x187: {  	v1 =	vmul.f32 v8, v1;
	v8 =	vld [tilespmem:s2+$0x5080];
	[tilespmem:s13+$0xD000] =	vst v3  }
0x188: {  	v3 =	vld.idx.msk [tilespmem:v0+s5+$0xFFFFFFFF ss:$0x1], $0xffff  }
0x189: {  	v6 =	vmul.f32 v7, v6;
	[tilespmem:s9+$0xD000] =	vst v1;
	v1 =	vld [tilespmem:s13+$0x5080]  }
0x18a: {  	v7 =	vld.idx.msk [tilespmem:v0+s5+$0xFFFFFFDF ss:$0x1], $0xffff  }
0x18b: {  	v2 =	vmul.f32 v4, v2;
	[tilespmem:s4+$0xD000] =	vst v6;
	v6 =	vld [tilespmem:s4+$0x5080]  }
0x18c: {  	s16 =	sadd.s32 $0x4, s16;
	v4 =	vld.idx.msk [tilespmem:v0+s5+$0xFFFFFFCF ss:$0x1], $0xffff  }
0x18d: {  	s0 =	sand.u32 $0x7, s16;
	[tilespmem:s2+$0xD000] =	vst v2;
	v9 =	vld.idx.msk [tilespmem:v0+s12+$0xFFFFFFED ss:$0x1], $0xffff  }
0x18e: {  	s0 =	sshll.u32 s0, $0x4;
	v2 =	vld.idx.msk [tilespmem:v0+s5+$0xFFFFFFEF ss:$0x1], $0xffff;
	v3 =	vmul.f32 v1, v3  }
0x18f: {  	s0 =	sadd.s32 s7, s0;
	v1 =	vld.idx.msk [tilespmem:v0+s12+$0xFFFFFFCD ss:$0x1], $0xffff;
	s12 =	smov.u32 s5  }
0x190: {  	s6 =	sadd.s32 $0x10, s0;
	v5 =	vmul.f32 v5, v7;
	s5 =	sadd.s32 $0x30, s0;
	[tilespmem:s13+$0xD080] =	vst v3;
	v3 =	vld [tilespmem:s24+$0x1000]  }
0x191: {  	s0 =	sor.u32 $0x4180, s6;
	s13 =	sor.u32 $0x4100, s6;
	s6 =	sor.u32 $0x4100, s5;
	v7 =	vld.idx.msk [tilespmem:v0+s12+$0xFFFFFFFE ss:$0x1], $0xffff  }
0x192: {  	v4 =	vmul.f32 v6, v4;
	[tilespmem:s9+$0xD080] =	vst v5;
	v5 =	vld [tilespmem:s6+$0x1000]  }
0x193: {  	v10 =	vld.idx.msk [tilespmem:v0+s12+$0xFFFFFFDE ss:$0x1], $0xffff  }
0x194: {  	v6 =	vmul.f32 v8, v2;
	[tilespmem:s4+$0xD080] =	vst v4;
	v11 =	vld [tilespmem:s13+$0x1000]  }
.Ltmp7:
0x195: {  	v2 =	vld.idx.msk [tilespmem:v0+s12+$0xFFFFFFCE ss:$0x1], $0xffff;
	v8 =	vmul.f32 v3, v9;
	(pc) =	sbr.rel @p3 .LBB2_11-.Ltmp7, $4  }
0x196: {  	v4 =	vld [tilespmem:s1+$0x1000];
	[tilespmem:s2+$0xD080] =	vst v6  }
0x197: {  	v3 =	vld.idx.msk [tilespmem:v0+s12+$0xFFFFFFEE ss:$0x1], $0xffff;
	v5 =	vmul.f32 v5, v7;
	[tilespmem:s24+$0x9000] =	vst v8;
	s24 =	smov.u32 s29  }
0x198: {  	v6 =	vld [tilespmem:s3+$0x1000]  }
0x199: {  	p2 =	por !p2, !p2;
	v7 =	vmul.f32 v11, v10;
	[tilespmem:s6+$0x9000] =	vst v5;
	v5 =	vld [tilespmem:s28+$0x1000]  }
0x19a: {  	_ =	sdelay $0x3  }
0x19b: {  	v8 =	vld.idx.msk [tilespmem:v0+s12+$0xFFFFFFFD ss:$0x1], $0xffff;
	s2 =	sor.u32 $0x4180, s5  }
0x19c: {  	[tilespmem:s13+$0x9000] =	vst v7;
	v7 =	vld [tilespmem:s2+$0x1000];
	v2 =	vmul.f32 v4, v2  }
0x19d: {  	v4 =	vld.idx.msk [tilespmem:v0+s12+$0xFFFFFFDD ss:$0x1], $0xffff;
	v3 =	vmul.f32 v6, v3  }
0x19e: {  	v6 =	vld [tilespmem:s0+$0x1000];
	[tilespmem:s1+$0x9000] =	vst v2  }
0x19f: {  	v9 =	vld [tilespmem:s31+$0x1000];
	[tilespmem:s3+$0x9000] =	vst v3  }
0x1a0: {  	v2 =	vld.idx.msk [tilespmem:v0+s12+$0xFFFFFFED ss:$0x1], $0xffff  }
0x1a1: {  	v3 =	vld [tilespmem:s24+$0x1000]  }
0x1a2: {  	v0 =	vld.idx.msk [tilespmem:v0+s12+$0xFFFFFFCD ss:$0x1], $0xffff  }
0x1a3: {  	v1 =	vmul.f32 v5, v1  }
0x1a4: {  	v5 =	vmul.f32 v7, v8  }
0x1a5: {  	[tilespmem:s28+$0x9000] =	vst v1;
	v1 =	vmul.f32 v6, v4  }
0x1a6: {  	[tilespmem:s2+$0x9000] =	vst v5;
	v2 =	vmul.f32 v3, v2  }
0x1a7: {  	s12 =	sshll.u32 s30, $0x8;
	[tilespmem:s0+$0x9000] =	vst v1;
	v0 =	vmul.f32 v9, v0  }
0x1a8: {  	s13 =	rddreg [dreg:$0x2];
	s0 =	sand.u32 $0x1FFFF800, s12;
	[tilespmem:s24+$0x9000] =	vst v2  }
0x1a9: {  	s14 =	simm.s32 $0xD000;
	s0 =	sadd.s32 s13, s0;
	[tilespmem:s31+$0x9000] =	vst v0;
	s31 =	simm.s32 $0x200  }
0x1aa: {  	[hbm4b:s0+s31] =	stream.strided.scatter [tilespmem:s14], [sflag:$0x7], $0x2000, s22, s31, $0x38;
	[tilespmem:$0x11000] =	vst v63  }
0x1ab: {  	s0 =	rddreg [dreg:$0xc]  }
0x1ac: {  	s0 =	sadd.s32 @!p1 s10, s0  }
0x1ad: {  	s15 =	simm.s32 $0x4;
	s0 =	sshll.u32 @!p1 s0, $0x8  }
0x1ae: {  	s1 =	rddreg [dreg:$0x0];
	s3 =	simm.s32 @!p1 $0x5000;
	s0 =	sand.u32 @!p1 $0x1FFFF800, s0  }
0x1af: {  	s2 =	simm.s32 @!p1 $0x400;
	s0 =	sadd.s32 @!p1 s1, s0;
	s1 =	simm.s32 @!p1 $0x200  }
0x1b0: {  	[tilespmem:s3], [sflag:$0x3] =	stream.strided.gather @!p1 [hbm4b:s0+s1], $0x2000, s2, s1, $0x38;
	[tilespmem:$0x11000] =	vst v63  }
0x1b1: {  	_ =	swait.ge [sflag:s15], $0x2000  }
0x1b2: {  	v0 =	vmov s20;
	[sflag:s15] =	ssyncset.done $0x0  }
0x1b3: {  	s0 =	simm.s32 @!p0 $0x8;
	[sflag:s15] =	ssyncadd.s32 $0xFFFFE000  }
0x1b4: {  	s16 =	simm.s32 $0x0;
	_ =	swait.ge @!p0 [sflag:s0], $0x2000  }
0x1b5: {  	s21 =	simm.s32 $0x30;
	s23 =	sand.u32 $0x1E00, s16;
	[sflag:s0] =	ssyncset.done @!p0 $0x0  }
0x1b6: {  	s1 =	simm.s32 $0x0;
	s2 =	sand.u32 $0x70, s21;
	[sflag:s0] =	ssyncadd.s32 @!p0 $0xFFFFE000  }
0x1b7: {  	s4 =	simm.s32 $0x10;
	s2 =	sor.u32 s23, s2;
	v1 =	vld.idx.msk [tilespmem:v0+s1+$0x0 ss:$0x1], $0xffff  }
0x1b8: {  	s4 =	sand.u32 $0x50, s4;
	v2 =	vld [tilespmem:s2+$0x7000]  }
0x1b9: {  	s4 =	sor.u32 s23, s4;
	s24 =	simm.s32 $0x20;
	v3 =	vld.idx.msk [tilespmem:v0+s1+$0xFFFFFFE0 ss:$0x1], $0xffff  }
0x1ba: {  	s5 =	sand.u32 $0x60, s24;
	v4 =	vld [tilespmem:s4+$0x7000]  }
0x1bb: {  	s5 =	sor.u32 s23, s5;
	v5 =	vld.idx.msk [tilespmem:v0+s1+$0xFFFFFFD0 ss:$0x1], $0xffff  }
0x1bc: {  	v6 =	vld [tilespmem:s5+$0x7000]  }
0x1bd: {  	s6 =	sand.u32 $0x40, s16;
	v7 =	vld.idx.msk [tilespmem:v0+s1+$0xFFFFFFF0 ss:$0x1], $0xffff  }
0x1be: {  	s3 =	sor.u32 s6, s23;
	v8 =	vld [tilespmem:s4+$0x7080]  }
0x1bf: {  	s12 =	simm.s32 $0x40;
	v1 =	vmul.f32 v2, v1;
	v2 =	vld [tilespmem:s3+$0x7000]  }
0x1c0: {  	v10 =	vld.idx.msk [tilespmem:v0+s12+$0x0 ss:$0x1], $0xffff  }
0x1c1: {  	[tilespmem:s2+$0xF000] =	vst v1;
	v1 =	vmul.f32 v4, v3;
	v4 =	vld [tilespmem:s2+$0x7080]  }
0x1c2: {  	v3 =	vld.idx.msk [tilespmem:v0+s1+$0xFFFFFFFF ss:$0x1], $0xffff  }
0x1c3: {  	v12 =	vld.idx.msk [tilespmem:v0+s12+$0xFFFFFFE0 ss:$0x1], $0xffff;
	[tilespmem:s4+$0xF000] =	vst v1  }
0x1c4: {  	v1 =	vmul.f32 v2, v5;
	v2 =	vld.idx.msk [tilespmem:v0+s1+$0xFFFFFFDF ss:$0x1], $0xffff  }
0x1c5: {  	s26 =	sand.u32 $0x7, s16;
	v16 =	vld.idx.msk [tilespmem:v0+s12+$0xFFFFFFF0 ss:$0x1], $0xffff  }
0x1c6: {  	s6 =	sshll.u32 s26, $0x4;
	v5 =	vmul.f32 v6, v7;
	[tilespmem:s3+$0xF000] =	vst v1;
	v1 =	vld [tilespmem:s3+$0x7080]  }
0x1c7: {  	s6 =	sadd.s32 $0x0, s6;
	v6 =	vld.idx.msk [tilespmem:v0+s1+$0xFFFFFFCF ss:$0x1], $0xffff;
	v3 =	vmul.f32 v4, v3  }
0x1c8: {  	s7 =	sadd.s32 $0x30, s6;
	[tilespmem:s5+$0xF000] =	vst v5;
	v4 =	vld [tilespmem:s5+$0x7080]  }
0x1c9: {  	s23 =	simm.s32 $0x70;
	s6 =	sadd.s32 $0x10, s6;
	s9 =	sor.u32 $0x6100, s7;
	v5 =	vld.idx.msk [tilespmem:v0+s1+$0xFFFFFFEF ss:$0x1], $0xffff;
	v2 =	vmul.f32 v8, v2;
	[tilespmem:s2+$0xF080] =	vst v3  }
0x1ca: {  	s29 =	sor.u32 $0x6100, s6;
	s21 =	sor.u32 $0x6180, s7;
	s7 =	simm.s32 $0x100;
	v3 =	vld.idx.msk [tilespmem:v0+s1+$0xFFFFFFFE ss:$0x1], $0xffff  }
0x1cb: {  	s24 =	sand.u32 $0x1E00, s7;
	p0 =	por $0x0, $0x0;
	s0 =	sand.u32 $0x3, s16;
	[tilespmem:s4+$0xF080] =	vst v2;
	v2 =	vld [tilespmem:s9+$0x1000]  }
0x1cc: {  	s14 =	sshll.u32 s0, $0x5;
	s2 =	simm.s32 $0x1;
	s4 =	sand.u32 $0x70, s23;
	v1 =	vmul.f32 v1, v6;
	v6 =	vld.idx.msk [tilespmem:v0+s1+$0xFFFFFFDE ss:$0x1], $0xffff  }
0x1cd: {  	s15 =	sadd.s32 $0x0, s14;
	s2 =	simm.s32 @!p0 $0x0;
	v7 =	vld [tilespmem:s29+$0x1000];
	s14 =	sor.u32 s24, s4  }
0x1ce: {  	s2 =	sshll.u32 s2, $0x6;
	v11 =	vld [tilespmem:s14+$0x7000]  }
0x1cf: {  	s23 =	simm.s32 $0x40;
	s0 =	sadd.s32 $0x0, s2;
	v58 =	vld [tilespmem:s14+$0x7080];
	[tilespmem:s3+$0xF080] =	vst v1  }
0x1d0: {  	s2 =	sadd.s32 $0x20, s15;
	s15 =	sand.u32 $0x40, s23;
	s13 =	sor.u32 $0x6100, s0;
	v1 =	vmul.f32 v4, v5;
	v4 =	vld.idx.msk [tilespmem:v0+s1+$0xFFFFFFCE ss:$0x1], $0xffff  }
0x1d1: {  	s3 =	sor.u32 $0x6180, s6;
	s6 =	sor.u32 s15, s24;
	v5 =	vld [tilespmem:s13+$0x1000]  }
0x1d2: {  	v15 =	vld [tilespmem:s6+$0x7000]  }
0x1d3: {  	v59 =	vld [tilespmem:s6+$0x7080];
	[tilespmem:s5+$0xF080] =	vst v1  }
0x1d4: {  	s16 =	sor.u32 $0x6100, s2;
	v1 =	vmul.f32 v2, v3;
	v2 =	vld.idx.msk [tilespmem:v0+s1+$0xFFFFFFEE ss:$0x1], $0xffff  }
0x1d5: {  	s26 =	simm.s32 $0x50;
	v3 =	vld [tilespmem:s16+$0x1000]  }
0x1d6: {  	[tilespmem:s9+$0x9000] =	vst v1;
	v1 =	vld.idx.msk [tilespmem:v0+s12+$0xFFFFFFD0 ss:$0x1], $0xffff;
	s9 =	sand.u32 $0x50, s26  }
0x1d7: {  	v6 =	vmul.f32 v7, v6;
	v7 =	vld.idx.msk [tilespmem:v0+s1+$0xFFFFFFFD ss:$0x1], $0xffff;
	s9 =	sor.u32 s24, s9  }
0x1d8: {  	v13 =	vld [tilespmem:s9+$0x7000]  }
0x1d9: {  	[tilespmem:s29+$0x9000] =	vst v6;
	v6 =	vld [tilespmem:s21+$0x1000]  }
0x1da: {  	s29 =	simm.s32 $0x60;
	v8 =	vld.idx.msk [tilespmem:v0+s1+$0xFFFFFFDD ss:$0x1], $0xffff  }
0x1db: {  	v10 =	vmul.f32 v11, v10;
	v55 =	vld [tilespmem:s3+$0x1000];
	s4 =	sand.u32 $0x60, s29  }
0x1dc: {  	v56 =	vld [tilespmem:s9+$0x7080];
	s4 =	sor.u32 s24, s4  }
0x1dd: {  	[tilespmem:s14+$0xF000] =	vst v10;
	v14 =	vld [tilespmem:s4+$0x7000];
	v12 =	vmul.f32 v13, v12  }
0x1de: {  	v10 =	vld.idx.msk [tilespmem:v0+s12+$0xFFFFFFFF ss:$0x1], $0xffff;
	v2 =	vmul.f32 v3, v2  }
0x1df: {  	v57 =	vld [tilespmem:s4+$0x7080];
	[tilespmem:s9+$0xF000] =	vst v12  }
0x1e0: {  	v1 =	vmul.f32 v15, v1;
	[tilespmem:s16+$0x9000] =	vst v2;
	v3 =	vld.idx.msk [tilespmem:v0+s12+$0xFFFFFFDF ss:$0x1], $0xffff  }
0x1e1: {  	s2 =	sor.u32 $0x6180, s2;
	v4 =	vmul.f32 v5, v4;
	s16 =	simm.s32 $0x4;
	v5 =	vld.idx.msk [tilespmem:v0+s1+$0xFFFFFFED ss:$0x1], $0xffff  }
0x1e2: {  	[tilespmem:s6+$0xF000] =	vst v1;
	s15 =	sand.u32 $0x7, s16;
	v60 =	vld [tilespmem:s2+$0x1000];
	v1 =	vmul.f32 v14, v16  }
0x1e3: {  	[tilespmem:s13+$0x9000] =	vst v4;
	v2 =	vld.idx.msk [tilespmem:v0+s12+$0xFFFFFFCF ss:$0x1], $0xffff;
	s5 =	sshll.u32 s15, $0x4;
	v10 =	vmul.f32 v58, v10  }
0x1e4: {  	s24 =	sadd.s32 $0x100, s5;
	[tilespmem:s4+$0xF000] =	vst v1;
	v1 =	vld.idx.msk [tilespmem:v0+s1+$0xFFFFFFCD ss:$0x1], $0xffff  }
0x1e5: {  	[tilespmem:s14+$0xF080] =	vst v10;
	s5 =	sadd.s32 $0x30, s24;
	v4 =	vld.idx.msk [tilespmem:v0+s12+$0xFFFFFFEF ss:$0x1], $0xffff;
	v3 =	vmul.f32 v56, v3  }
0x1e6: {  	v61 =	vld.idx.msk [tilespmem:v0+s12+$0xFFFFFFFE ss:$0x1], $0xffff;
	s14 =	sor.u32 $0x6100, s5  }
0x1e7: {  	p0 =	por !p0, !p0;
	s15 =	sadd.s32 $0x10, s24;
	s1 =	simm.s32 $0x1;
	v62 =	vld [tilespmem:s14+$0x1000];
	v5 =	vmul.f32 v60, v5;
	[tilespmem:s9+$0xF080] =	vst v3  }
0x1e8: {  	s26 =	simm.s32 $0x2;
	s13 =	sor.u32 $0x6100, s15;
	s1 =	simm.s32 @!p0 $0x0;
	v2 =	vmul.f32 v59, v2;
	v3 =	vmul.f32 v6, v7;
	v7 =	vld.idx.msk [tilespmem:v0+s12+$0xFFFFFFDE ss:$0x1], $0xffff  }
0x1e9: {  	s28 =	sor.u32 $0x6180, s0;
	s29 =	sand.u32 $0x3, s26;
	s1 =	sshll.u32 s1, $0x6;
	[tilespmem:s2+$0x9000] =	vst v5;
	v63 =	vld [tilespmem:s13+$0x1000]  }
0x1ea: {  	s24 =	sadd.s32 $0x100, s1;
	v5 =	vld [tilespmem:s28+$0x1000];
	[tilespmem:s6+$0xF080] =	vst v2;
	s9 =	sshll.u32 s29, $0x5;
	v4 =	vmul.f32 v57, v4  }
0x1eb: {  	s1 =	sor.u32 $0x6100, s24;
	v2 =	vld.idx.msk [tilespmem:v0+s12+$0xFFFFFFCE ss:$0x1], $0xffff;
	v6 =	vmul.f32 v55, v8;
	s6 =	sadd.s32 $0x100, s9;
	[tilespmem:s21+$0x9000] =	vst v3  }
0x1ec: {  	s11 =	sadd.s32 $0xC, s11;
	v8 =	vmul.f32 v62, v61;
	[tilespmem:s4+$0xF080] =	vst v4;
	s29 =	sadd.s32 $0x20, s6;
	v4 =	vld [tilespmem:s1+$0x1000]  }
0x1ed: {  	s0 =	sor.u32 $0x6180, s15;
	p0 =	por !p0, !p0;
	[tilespmem:s3+$0x9000] =	vst v6;
	s3 =	sor.u32 $0x6100, s29;
	v3 =	vld.idx.msk [tilespmem:v0+s12+$0xFFFFFFEE ss:$0x1], $0xffff  }
0x1ee: {  	s30 =	sor.u32 $0x6180, s24;
	s21 =	simm.s32 $0x4;
	[tilespmem:s14+$0x9000] =	vst v8;
	s24 =	sor.u32 $0x6180, s29;
	v6 =	vld [tilespmem:s3+$0x1000];
	v7 =	vmul.f32 v63, v7  }
.LBB2_13:
0x1ef: {  	s2 =	simm.s32 $0x1  }
0x1f0: {  	v8 =	vld.idx.msk [tilespmem:v0+s12+$0xFFFFFFFD ss:$0x1], $0xffff;
	s6 =	sor.u32 $0x6180, s5;
	s26 =	sadd.s32 $0x2, s26;
	s2 =	simm.s32 @!p0 $0x0  }
0x1f1: {  	s4 =	sand.u32 $0x3, s26;
	v2 =	vmul.f32 v4, v2;
	s14 =	sshll.u32 s2, $0x6;
	[tilespmem:s13+$0x9000] =	vst v7;
	v4 =	vld [tilespmem:s6+$0x1000]  }
0x1f2: {  	s7 =	sadd.s32 $0x100, s7;
	s23 =	sadd.s32 $0x40, s23;
	s15 =	sshll.u32 s4, $0x5;
	v7 =	vld.idx.msk [tilespmem:v0+s12+$0xFFFFFFDD ss:$0x1], $0xffff  }
0x1f3: {  	s21 =	sadd.s32 $0x4, s21;
	s5 =	sshra.s32 s7, $0x2;
	s2 =	sadd.s32 $0x30, s23;
	v3 =	vmul.f32 v6, v3;
	[tilespmem:s1+$0x9000] =	vst v2;
	v2 =	vld [tilespmem:s0+$0x1000]  }
0x1f4: {  	p2 =	slt.u32 s21, $0x7C;
	s2 =	sand.u32 $0x70, s2;
	s1 =	sand.u32 $0x1E00, s7;
	v1 =	vmul.f32 v5, v1;
	v6 =	vld.idx.msk [tilespmem:v0+s5+$0xFFFFFFD0 ss:$0x1], $0xffff  }
0x1f5: {  	s9 =	sadd.s32 $0x20, s23;
	s4 =	sadd.s32 $0x10, s23;
	s13 =	sor.u32 s1, s2;
	v5 =	vld.idx.msk [tilespmem:v0+s5+$0x0 ss:$0x1], $0xffff;
	[tilespmem:s3+$0x9000] =	vst v3  }
0x1f6: {  	s29 =	sand.u32 $0x60, s9;
	s2 =	sand.u32 $0x40, s23;
	s3 =	sand.u32 $0x50, s4;
	v3 =	vld [tilespmem:s13+$0x7000];
	v4 =	vmul.f32 v4, v8;
	[tilespmem:s28+$0x9000] =	vst v1  }
0x1f7: {  	s4 =	sor.u32 s2, s1;
	s2 =	sor.u32 s1, s29;
	s9 =	sor.u32 s1, s3;
	v1 =	vld.idx.msk [tilespmem:v0+s5+$0xFFFFFFE0 ss:$0x1], $0xffff  }
0x1f8: {  	s14 =	sadd.s32 s14, s7;
	s3 =	sadd.s32 s7, s15;
	s28 =	smov.u32 s30;
	v8 =	vld [tilespmem:s9+$0x7000];
	v2 =	vmul.f32 v2, v7;
	[tilespmem:s6+$0x9000] =	vst v4  }
0x1f9: {  	s1 =	sor.u32 $0x6100, s14;
	s30 =	sor.u32 $0x6180, s14;
	s6 =	sadd.s32 $0x20, s3;
	v4 =	vld [tilespmem:s2+$0x7000]  }
0x1fa: {  	s3 =	sor.u32 $0x6100, s6;
	s29 =	sor.u32 $0x6180, s6;
	v7 =	vld [tilespmem:s4+$0x7000];
	[tilespmem:s0+$0x9000] =	vst v2  }
0x1fb: {  	v2 =	vld.idx.msk [tilespmem:v0+s5+$0xFFFFFFF0 ss:$0x1], $0xffff;
	v3 =	vmul.f32 v3, v5  }
0x1fc: {  	v5 =	vld [tilespmem:s9+$0x7080]  }
0x1fd: {  	v1 =	vmul.f32 v8, v1;
	v8 =	vld [tilespmem:s2+$0x7080];
	[tilespmem:s13+$0xF000] =	vst v3  }
0x1fe: {  	v3 =	vld.idx.msk [tilespmem:v0+s5+$0xFFFFFFFF ss:$0x1], $0xffff  }
0x1ff: {  	v6 =	vmul.f32 v7, v6;
	[tilespmem:s9+$0xF000] =	vst v1;
	v1 =	vld [tilespmem:s13+$0x7080]  }
0x200: {  	v7 =	vld.idx.msk [tilespmem:v0+s5+$0xFFFFFFDF ss:$0x1], $0xffff  }
0x201: {  	v2 =	vmul.f32 v4, v2;
	[tilespmem:s4+$0xF000] =	vst v6;
	v6 =	vld [tilespmem:s4+$0x7080]  }
0x202: {  	s16 =	sadd.s32 $0x4, s16;
	v4 =	vld.idx.msk [tilespmem:v0+s5+$0xFFFFFFCF ss:$0x1], $0xffff  }
0x203: {  	s0 =	sand.u32 $0x7, s16;
	[tilespmem:s2+$0xF000] =	vst v2;
	v9 =	vld.idx.msk [tilespmem:v0+s12+$0xFFFFFFED ss:$0x1], $0xffff  }
0x204: {  	s0 =	sshll.u32 s0, $0x4;
	v2 =	vld.idx.msk [tilespmem:v0+s5+$0xFFFFFFEF ss:$0x1], $0xffff;
	v3 =	vmul.f32 v1, v3  }
0x205: {  	s0 =	sadd.s32 s7, s0;
	v1 =	vld.idx.msk [tilespmem:v0+s12+$0xFFFFFFCD ss:$0x1], $0xffff;
	s12 =	smov.u32 s5  }
0x206: {  	s6 =	sadd.s32 $0x10, s0;
	v5 =	vmul.f32 v5, v7;
	s5 =	sadd.s32 $0x30, s0;
	[tilespmem:s13+$0xF080] =	vst v3;
	v3 =	vld [tilespmem:s24+$0x1000]  }
0x207: {  	s0 =	sor.u32 $0x6180, s6;
	s13 =	sor.u32 $0x6100, s6;
	s6 =	sor.u32 $0x6100, s5;
	v7 =	vld.idx.msk [tilespmem:v0+s12+$0xFFFFFFFE ss:$0x1], $0xffff  }
0x208: {  	v4 =	vmul.f32 v6, v4;
	[tilespmem:s9+$0xF080] =	vst v5;
	v5 =	vld [tilespmem:s6+$0x1000]  }
0x209: {  	v10 =	vld.idx.msk [tilespmem:v0+s12+$0xFFFFFFDE ss:$0x1], $0xffff  }
0x20a: {  	v6 =	vmul.f32 v8, v2;
	[tilespmem:s4+$0xF080] =	vst v4;
	v11 =	vld [tilespmem:s13+$0x1000]  }
.Ltmp8:
0x20b: {  	v2 =	vld.idx.msk [tilespmem:v0+s12+$0xFFFFFFCE ss:$0x1], $0xffff;
	v8 =	vmul.f32 v3, v9;
	(pc) =	sbr.rel @p2 .LBB2_13-.Ltmp8, $4  }
0x20c: {  	v4 =	vld [tilespmem:s1+$0x1000];
	[tilespmem:s2+$0xF080] =	vst v6  }
0x20d: {  	v3 =	vld.idx.msk [tilespmem:v0+s12+$0xFFFFFFEE ss:$0x1], $0xffff;
	v5 =	vmul.f32 v5, v7;
	[tilespmem:s24+$0x9000] =	vst v8;
	s24 =	smov.u32 s29  }
0x20e: {  	v6 =	vld [tilespmem:s3+$0x1000]  }
0x20f: {  	p0 =	por !p0, !p0;
	v7 =	vmul.f32 v11, v10;
	[tilespmem:s6+$0x9000] =	vst v5;
	v5 =	vld [tilespmem:s28+$0x1000]  }
0x210: {  	_ =	sdelay $0x3  }
0x211: {  	v8 =	vld.idx.msk [tilespmem:v0+s12+$0xFFFFFFFD ss:$0x1], $0xffff;
	s2 =	sor.u32 $0x6180, s5  }
0x212: {  	[tilespmem:s13+$0x9000] =	vst v7;
	v57 =	vld [tilespmem:s2+$0x1000];
	v2 =	vmul.f32 v4, v2  }
0x213: {  	v58 =	vld.idx.msk [tilespmem:v0+s12+$0xFFFFFFDD ss:$0x1], $0xffff  }
0x214: {  	v59 =	vld [tilespmem:s0+$0x1000];
	v3 =	vmul.f32 v6, v3;
	[tilespmem:s1+$0x9000] =	vst v2  }
0x215: {  	v61 =	vld.idx.msk [tilespmem:v0+s12+$0xFFFFFFCD ss:$0x1], $0xffff  }
0x216: {  	v9 =	vld [tilespmem:s30+$0x1000];
	[tilespmem:s3+$0x9000] =	vst v3  }
0x217: {  	v60 =	vld.idx.msk [tilespmem:v0+s12+$0xFFFFFFED ss:$0x1], $0xffff  }
0x218: {  	v3 =	vld [tilespmem:s24+$0x1000]  }
0x219: {  	v1 =	vmul.f32 v5, v1  }
0x21a: {  	v62 =	vmul.f32 v57, v8  }
0x21b: {  	[tilespmem:s28+$0x9000] =	vst v1;
	v63 =	vmul.f32 v59, v58  }
0x21c: {  	[tilespmem:s2+$0x9000] =	vst v62;
	v0 =	vmul.f32 v9, v61  }
0x21d: {  	[tilespmem:s0+$0x9000] =	vst v63;
	v2 =	vmul.f32 v3, v60  }
.Ltmp9:
0x21e: {  	[tilespmem:s30+$0x9000] =	vst v0;
	(pc) =	sbr.rel @p1 .LBB2_16-.Ltmp9, $4  }
0x21f: {  	s29 =	sshll.u32 s11, $0x8;
	[tilespmem:s24+$0x9000] =	vst v2  }
0x220: {  	s0 =	sand.u32 $0x1FFFF800, s29;
	s1 =	rddreg [dreg:$0xb]  }
0x221: {  	s30 =	simm.s32 $0xF000;
	s0 =	sadd.s32 s0, s1  }
0x222: {  	[hbm4b:s0+s31] =	stream.strided.scatter [tilespmem:s30], [sflag:$0x8], $0x2000, s22, s31, $0x38;
	[tilespmem:$0x11000] =	vst v63  }
0x223: {  	s0 =	rddreg [dreg:$0xc]  }
0x224: {  	s1 =	rddreg [dreg:$0x6]  }
.Ltmp10:
0x225: {  	s30 =	simm.s32 $0x7000;
	s0 =	sadd.s32 s10, s0;
	(pc) =	sbr.rel .LBB2_2-.Ltmp10, $4  }
0x226: {  	s8 =	sadd.s32 $0x1, s8;
	s17 =	sadd.s32 $0xFFFFFFF0, s17;
	s0 =	sshll.u32 s0, $0x8  }
0x227: {  	s18 =	sadd.s32 $0xFFFFFFF0, s18;
	s19 =	sadd.s32 $0xFFFFFFF0, s19;
	s0 =	sand.u32 $0x1FFFF800, s0  }
0x228: {  	s20 =	sadd.s32 $0xFFFFFFF0, s20;
	s14 =	smov.u32 s25;
	s0 =	sadd.s32 s0, s1  }
0x229: {  	[tilespmem:s30], [sflag:$0x4] =	stream.strided.gather [hbm4b:s0+s31], $0x2000, s22, s31, $0x38;
	[tilespmem:$0x11000] =	vst v63  }
.LBB2_17:
0x22a: {  	_ =	sfence.sel $0x180000  }
0x22b: {  	[bflag:$0x0] =	sbarrier.arrive $0xFFFF  }
0x22c: {  	_ =	strace $0x90000047  }
0x22d: {  	s0 =	stileid.u32;
	[bflag:$0x2] =	sbarrier.arrive $0xFFFF  }
0x22e: {  	p0 =	sne.s32 s0, $0x0;
	s0 =	rddreg [dreg:$0x3]  }
0x22f: {  	s0 =	sadd.s32 @!p0 $0x100000, s0  }
0x230: {  	[sflag:s0] =	ssyncadd.tile.s32 @!p0 $0x1;
	_ =	shalt  }
.Lfunc_end2:
_tile_overlayer_lowered:
.L_overlay_start_2:
0x231: {  	(tag) =	ssettag $0x2  }
0x232: {  	s0 =	rddreg [dreg:$0x0];
	s2 =	stileid.u32  }
0x233: {  	s1 =	rddreg [dreg:$0x1];
	p0 =	sne.s32 s2, $0x0  }
0x234: {  	s3 =	rddreg [dreg:$0x2];
	[bflag:$0x3] =	sbarrier.arrive $0xFFFF;
	s2 =	simm.s32 @!p0 $0x1C09  }
0x235: {  	[timem:s3], [sflag:s2] =	dma.local @!p0 [hbm:s0], s1  }
0x236: {  	s0 =	simm.s32 @!p0 $0x9  }
0x237: {  	_ =	swait.ge @!p0 [sflag:s0], s1  }
0x238: {  	s1 =	ssub.s32 @!p0 $0x0, s1;
	[sflag:s0] =	ssyncset.done @!p0 $0x0  }
0x239: {  	[sflag:s0] =	ssyncadd.s32 @!p0 s1  }
0x23a: {  	[bflag:$0x3] =	sbarrier.arrive $0xFFFF  }
0x23b: {  	_ =	shalt  }

</sc_bundles>
